<compile_context>
chip_gen: v7x
topology: tpu7x:2x2x1
jax: 0.10.2.dev20260603
libtpu: 0.0.44.dev20260713+nightly
codegen_flags: <defaults>
</compile_context>

<pallas_src>
import functools

import jax
import jax.numpy as jnp
from jax import lax
from jax.experimental import pallas as pl
from jax.experimental.pallas import tpu as pltpu
from jax.experimental.pallas import tpu_sc as plsc



def _pre_body(Dqk, Dv, N, T, PK, qk_ref, v_ref, qe_out, vid_out):
    i32 = jnp.int32
    best = qk_ref[0]
    bidx = jnp.zeros((N, T), i32)
    for d in range(1, Dqk):
        x = qk_ref[d]
        gt = x > best
        best = jnp.where(gt, x, best)
        bidx = jnp.where(gt, d, bidx)
    q = bidx

    vbest = v_ref[0]
    vidx = jnp.zeros((N, T), i32)
    for d in range(1, Dv):
        x = v_ref[d]
        gt = x > vbest
        vbest = jnp.where(gt, x, vbest)
        vidx = jnp.where(gt, d, vidx)
    vid_out[...] = vidx

    qnext = jnp.concatenate([q[:, 1:], jnp.full((N, 1), -1, i32)], axis=1)
    is_end = q != qnext
    iota_t = lax.broadcasted_iota(i32, (N, T), 1)
    e = jnp.where(is_end, iota_t, T)
    sh = 1
    while sh < T:
        shifted = jnp.concatenate(
            [e[:, sh:], jnp.full((N, sh), T, i32)], axis=1)
        e = jnp.minimum(e, shifted)
        sh *= 2
    qe_out[...] = e * PK + q



_GD = lax.GatherDimensionNumbers(
    offset_dims=(), collapsed_slice_dims=(0,), start_index_map=(0,))


def _lanes(x, idx):
    return lax.gather(x, idx[:, None], _GD, (1,),
                      mode=lax.GatherScatterMode.PROMISE_IN_BOUNDS)


def _dp_body(N, T, Dv, PK, qe_hbm, vid_hbm, vsel_hbm,
             qe_v, tau_v, vid_v):
    i32 = jnp.int32
    cid = lax.axis_index("c")
    sid = lax.axis_index("s")
    wid = sid * 2 + cid

    @pl.when(wid < N)
    def _():
        row = wid
        pltpu.sync_copy(qe_hbm.at[row], qe_v.at[pl.ds(0, T)])
        pltpu.sync_copy(vid_hbm.at[row], vid_v.at[pl.ds(0, T)])
        iota = lax.iota(i32, 16)
        neg1 = jnp.full((16,), -1, i32)
        zero16 = jnp.zeros((16,), i32)
        lane0 = iota == 0
        qe_v[pl.ds(T, 16)] = zero16

        def run_body(carry):
            i0s, qes, i0v, pendv, bk_k, bk_e, bk_p = carry
            qe0 = zero16 + qes
            cv = jnp.bitwise_and(qe0, PK - 1)
            ecv = lax.shift_right_logical(qe0, 4)
            ecs = lax.shift_right_logical(qes, 4)
            i0n = ecs + 1
            qesn = qe_v[pl.ds(i0n, 16)][0]

            isp = iota == pendv
            bk_p = jnp.where(isp, qe0, bk_p)

            bestv = _lanes(bk_k, cv)
            ebv = _lanes(bk_e, cv)
            bpv = _lanes(bk_p, cv)
            hasv = bestv >= 0
            w0v = jnp.where(hasv, jnp.bitwise_and(bestv, 4095), 0)
            s0v = lax.shift_right_arithmetic(bestv, 12)
            e0v = ebv

            tau_v[pl.ds(i0s, 16)] = jnp.where(
                hasv, jnp.minimum(w0v + iota, e0v), neg1)

            @pl.when(ecs - i0s >= 16)
            def _():
                def wtau(k, carry2):
                    tau_v[pl.ds(i0s + k * 16, 16)] = jnp.where(
                        hasv, jnp.minimum(w0v + k * 16 + iota, e0v), neg1)
                    return carry2
                lax.fori_loop(1, (ecs - i0s + 16) // 16, wtau, 0)

            Lv = ecv - i0v + 1
            wlenv = jnp.minimum(Lv, e0v - w0v + 1)
            nsv = jnp.minimum(wlenv, e0v - w0v)

            bcondv = hasv & (wlenv > e0v - w0v) & (e0v + 1 < T)
            cbv = jnp.bitwise_and(bpv, PK - 1)
            epv = lax.shift_right_logical(bpv, 4)
            npv = plsc.load_gather(qe_v, [epv + 1], mask=lane0)
            np0 = _lanes(npv, zero16)
            oldk = _lanes(bk_k, cbv)
            olde = _lanes(bk_e, cbv)
            oldp = _lanes(bk_p, cbv)
            keybv = jnp.where(bcondv, (s0v + wlenv) * 4096 + e0v + 1, -1)
            winb = keybv > oldk
            isb = iota == cbv
            bk_k = jnp.where(isb, jnp.maximum(oldk, keybv), bk_k)
            bk_e = jnp.where(isb, jnp.where(winb, epv, olde), bk_e)
            bk_p = jnp.where(isb, jnp.where(winb, np0, oldp), bk_p)

            own = hasv & (nsv > 0)
            valc = jnp.where(own, (s0v + nsv) * 4096 + w0v + nsv,
                             4096 + ecv)
            winc = valc > bestv
            isc = iota == cv
            bk_k = jnp.where(isc, jnp.maximum(bestv, valc), bk_k)
            bk_e = jnp.where(isc, jnp.where(winc, jnp.where(own, e0v, ecv),
                                            ebv), bk_e)
            pendv = jnp.where(winc & ~own, cv, neg1)
            return (i0n, qesn, ecv + 1, pendv, bk_k, bk_e, bk_p)

        qes0 = qe_v[pl.ds(0, 16)][0]
        lax.while_loop(lambda c: c[0] < T, run_body,
                       (i32(0), qes0, zero16, neg1, neg1, zero16, zero16))

        @plsc.parallel_loop(0, T // 16, unroll=4)
        def _sel(k):
            tv = tau_v[pl.ds(k * 16, 16)]
            tc = jnp.clip(tv, 0, T - 1)
            vs = plsc.load_gather(vid_v, [tc])
            tau_v[pl.ds(k * 16, 16)] = jnp.where(tv >= 0, vs, Dv)
        pltpu.sync_copy(tau_v.at[pl.ds(0, T)], vsel_hbm.at[row])



def _emb_body(M, Dv, T, d_out, vsel_ref, vemb_ref, out_ref):
    i32 = jnp.int32
    iota_dv_t = lax.broadcasted_iota(i32, (Dv, T), 0)
    for m in range(M):
        vs = vsel_ref[0, m, :]
        ohT = (vs[None, :] == iota_dv_t).astype(jnp.float32)
        res = lax.dot_general(
            ohT, vemb_ref[m], (((0,), (0,)), ((), ())),
            precision=lax.Precision.HIGHEST,
            preferred_element_type=jnp.float32)
        out_ref[0, :, m * d_out:(m + 1) * d_out] = res



def kernel(qk_logits_btmd, v_logits_btmd, v_emb_mk_d):
    B, T, M, Dqk = qk_logits_btmd.shape
    Dv = v_logits_btmd.shape[-1]
    d_out = v_emb_mk_d.shape[-1]
    N = B * M
    PK = 16
    i32 = jnp.int32

    qk_dnt = qk_logits_btmd.transpose(3, 0, 2, 1).reshape(Dqk, N, T)
    v_dnt = v_logits_btmd.transpose(3, 0, 2, 1).reshape(Dv, N, T)

    qe_nt, vid_nt = pl.pallas_call(
        functools.partial(_pre_body, Dqk, Dv, N, T, PK),
        out_shape=[jax.ShapeDtypeStruct((N, T), i32)] * 2,
    )(qk_dnt, v_dnt)

    mesh = plsc.VectorSubcoreMesh(core_axis_name="c", subcore_axis_name="s")
    sc_params = pltpu.CompilerParams(needs_layout_passes=False)
    vsel_nt = pl.kernel(
        functools.partial(_dp_body, N, T, Dv, PK),
        out_type=jax.ShapeDtypeStruct((N, T), i32),
        mesh=mesh,
        scratch_types=[
            pltpu.VMEM((T + 32,), i32),
            pltpu.VMEM((T + 16,), i32),
            pltpu.VMEM((T,), i32),
        ],
        compiler_params=sc_params,
    )(qe_nt, vid_nt)

    vsel_bmt = vsel_nt.reshape(B, M, T)
    out_flat = pl.pallas_call(
        functools.partial(_emb_body, M, Dv, T, d_out),
        grid=(B,),
        in_specs=[
            pl.BlockSpec((1, M, T), lambda b: (b, 0, 0)),
            pl.BlockSpec((M, Dv, d_out), lambda b: (0, 0, 0)),
        ],
        out_specs=pl.BlockSpec((1, T, M * d_out), lambda b: (b, 0, 0)),
        out_shape=jax.ShapeDtypeStruct((B, T, M * d_out), jnp.float32),
    )(vsel_bmt, v_emb_mk_d)

    return out_flat.reshape(B, T, M, d_out)

# --- scband reference (transcript-rebuilt; emitter-appended) ---
"""Pipeline reference for scband-rosa-layer-88605175316975 (READ-ONLY COPY).

The authoritative reference and input builder live on the scoring server;
editing this copy changes nothing except your own understanding.
"""

import jax, jax.numpy as jnp
import numpy as np


def _run_ids(z_bmt):
    # z_bmt: int32 [B, M, T] -> run_id int32 [B, M, T] (mirrors compute_run_ids_and_starts)
    is_new = jnp.concatenate([jnp.ones_like(z_bmt[:, :, :1], dtype=bool), z_bmt[:, :, 1:] != z_bmt[:, :, :-1]], axis=2)
    run_id = jnp.cumsum(is_new.astype(jnp.int32), axis=2) - 1
    return run_id


def _tau_scan(q_nt, k_nt, rid_nt):
    # Faithful port of the _rosa_tau_rcf_kernel tau/DP path:
    # for each query position i, d_ij = dprev[j-1] + 1 if (j <= i, rid_j < rid_i, k_j == q_i) else -1;
    # tau[i] = argmax_j d_ij with tie-break toward largest j; only the winning j in dcurr is updated.
    N, T = q_nt.shape
    jidx = jnp.arange(T, dtype=jnp.int32)

    def step(dprev, i):
        qi = q_nt[:, i][:, None]
        rid_i = rid_nt[:, i][:, None]
        dleft = jnp.concatenate([jnp.zeros((N, 1), jnp.int32), dprev[:, :-1]], axis=1)
        valid = (jidx[None, :] <= i) & (rid_nt < rid_i) & (k_nt == qi)
        d_ij = jnp.where(valid, dleft + 1, jnp.int32(-1))
        best_score = jnp.max(d_ij, axis=1)
        cand = jnp.where((d_ij == best_score[:, None]) & (best_score[:, None] >= 0), jidx[None, :], jnp.int32(-1))
        best_j = jnp.max(cand, axis=1)
        upd = (jidx[None, :] == best_j[:, None]) & (best_score[:, None] >= 0)
        dcurr = jnp.where(upd, best_score[:, None], dprev)
        return dcurr, best_j

    _, taus = jax.lax.scan(step, jnp.zeros((N, T), jnp.int32), jnp.arange(T, dtype=jnp.int32))
    return taus.T  # [N, T]


def _forward(qk_logits_btmd, v_logits_btmd, v_emb_mk_d):
    # rosa_hard_match_route: [B,T,M,Dqk], [B,T,M,Dv], [M,K_v,d_out] -> [B,T,M,d_out]
    B, T, M, _ = qk_logits_btmd.shape
    q_btm = jnp.argmax(qk_logits_btmd, axis=-1).astype(jnp.int32)
    v_id_btm = jnp.argmax(v_logits_btmd, axis=-1).astype(jnp.int32)
    q_bmt = jnp.transpose(q_btm, (0, 2, 1))
    rid_bmt = _run_ids(q_bmt)
    N = B * M
    tau_nt = _tau_scan(q_bmt.reshape(N, T), q_bmt.reshape(N, T), rid_bmt.reshape(N, T))
    tau_btm = jnp.transpose(tau_nt.reshape(B, M, T), (0, 2, 1))  # [B,T,M]
    tau_c = jnp.clip(tau_btm, 0, T - 1)
    v_sel_btm = jnp.take_along_axis(v_id_btm, tau_c, axis=1)  # [B,T,M]
    m_idx = jnp.arange(M)[None, None, :]
    out = v_emb_mk_d[m_idx, v_sel_btm]  # [B,T,M,d_out]
    out = jnp.where((tau_btm >= 0)[..., None], out, jnp.zeros((), out.dtype))
    return out


def setup_inputs(seed: int = 0):
    key = jax.random.key(seed)
    k1, k2, k3 = jax.random.split(key, 3)
    B, T, M = 4, 2048, 4
    Dqk, Dv, d_out = 16, 32, 64
    qk_logits = jax.random.normal(k1, (B, T, M, Dqk), dtype=jnp.float32)
    v_logits = jax.random.normal(k2, (B, T, M, Dv), dtype=jnp.float32)
    v_emb = jax.random.normal(k3, (M, Dv, d_out), dtype=jnp.float32) * 0.02
    return {"qk_logits_btmd": qk_logits, "v_logits_btmd": v_logits, "v_emb_mk_d": v_emb}


def reference(qk_logits_btmd, v_logits_btmd, v_emb_mk_d):
    return _forward(qk_logits_btmd, v_logits_btmd, v_emb_mk_d)

if __name__ == "__main__":
    import jax
    _d = setup_inputs()
    print(jax.jit(kernel)(*tuple(_d.values())))

</pallas_src>

<mosaic_0001>
#map = affine_map<(d0, d1) -> (0, 0)>
module attributes {stable_mosaic.version = 14 : i64} {
  func.func @_dp_body(%arg0: i32, %arg1: i32, %arg2: memref<16x2048xi32, #tpu.memory_space<hbm>>, %arg3: memref<16x2048xi32, #tpu.memory_space<hbm>>, %arg4: memref<16x2048xi32, #tpu.memory_space<hbm>>, %arg5: memref<2080xi32, #tpu.memory_space<vmem>>, %arg6: memref<2064xi32, #tpu.memory_space<vmem>>, %arg7: memref<2048xi32, #tpu.memory_space<vmem>>) attributes {dimension_semantics = [#tpu.dimension_semantics<core_parallel>, #tpu.dimension_semantics<subcore_parallel>], iteration_bounds = array<i64: 2, 16>, scalar_prefetch = 0 : i64, scratch_operands = 3 : i64, tpu.core_type = #tpu.core_type<sc_vector_subcore>, window_params = [{transform_indices = #map}, {transform_indices = #map}, {transform_indices = #map}]} {
    %mul3A = arith.constant 2 : i32
    %mul3A_0 = arith.muli %arg1, %mul3A : i32
    %add3A = arith.addi %mul3A_0, %arg0 : i32
    %lt3A = arith.constant 16 : i32
    %lt3A_1 = arith.cmpi slt, %add3A, %lt3A : i32
    %convert_element_type3A = arith.extui %lt3A_1 : i1 to i32
    %cond3A = arith.constant 0 : i32
    %cond3A_2 = arith.cmpi ne, %convert_element_type3A, %cond3A : i32
    scf.if %cond3A_2 {
      "tpu.region"() ({
        %run_scoped3A = tpu.sem_alloc : memref<!tpu.dma_semaphore, #tpu.memory_space<semaphore_mem>>
        %dma_start3A = arith.constant 0 : i32
        %dma_start3A_13 = tpu.memref_slice %arg5[%dma_start3A] : memref<2080xi32, #tpu.memory_space<vmem>> -> memref<2048xi32, #tpu.memory_space<vmem>>
        %dma_start3A_14 = arith.constant 0 : i32
        %dma_start3A_15 = tpu.memref_slice %arg2[%add3A, %dma_start3A_14] : memref<16x2048xi32, #tpu.memory_space<hbm>> -> memref<1x2048xi32, #tpu.memory_space<hbm>>
        %dma_start3A_16 = tpu.memref_squeeze %dma_start3A_15 : memref<1x2048xi32, #tpu.memory_space<hbm>> -> memref<2048xi32, #tpu.memory_space<hbm>>
        %dma_start3A_17 = arith.constant 0 : i32
        %dma_start3A_18 = tpu.memref_slice %arg5[%dma_start3A_17] : memref<2080xi32, #tpu.memory_space<vmem>> -> memref<2048xi32, #tpu.memory_space<vmem>>
        %dma_start3A_19 = arith.constant 0 : i32
        %dma_start3A_20 = tpu.memref_slice %arg2[%add3A, %dma_start3A_19] : memref<16x2048xi32, #tpu.memory_space<hbm>> -> memref<1x2048xi32, #tpu.memory_space<hbm>>
        %dma_start3A_21 = tpu.memref_squeeze %dma_start3A_20 : memref<1x2048xi32, #tpu.memory_space<hbm>> -> memref<2048xi32, #tpu.memory_space<hbm>>
        tpu.enqueue_dma source(%dma_start3A_21 : memref<2048xi32, #tpu.memory_space<hbm>>) target(%dma_start3A_18 : memref<2048xi32, #tpu.memory_space<vmem>>) target_semaphore(%run_scoped3A : memref<!tpu.dma_semaphore, #tpu.memory_space<semaphore_mem>>)
        %dma_wait3A = arith.constant 0 : i32
        %dma_wait3A_22 = tpu.memref_slice %arg5[%dma_wait3A] : memref<2080xi32, #tpu.memory_space<vmem>> -> memref<2048xi32, #tpu.memory_space<vmem>>
        %dma_wait3A_23 = arith.constant 0 : i32
        %dma_wait3A_24 = tpu.memref_slice %arg2[%add3A, %dma_wait3A_23] : memref<16x2048xi32, #tpu.memory_space<hbm>> -> memref<1x2048xi32, #tpu.memory_space<hbm>>
        %dma_wait3A_25 = tpu.memref_squeeze %dma_wait3A_24 : memref<1x2048xi32, #tpu.memory_space<hbm>> -> memref<2048xi32, #tpu.memory_space<hbm>>
        %dma_wait3A_26 = arith.constant 0 : i32
        %dma_wait3A_27 = tpu.memref_slice %arg5[%dma_wait3A_26] : memref<2080xi32, #tpu.memory_space<vmem>> -> memref<2048xi32, #tpu.memory_space<vmem>>
        %dma_wait3A_28 = arith.constant 0 : i32
        %dma_wait3A_29 = tpu.memref_slice %arg2[%add3A, %dma_wait3A_28] : memref<16x2048xi32, #tpu.memory_space<hbm>> -> memref<1x2048xi32, #tpu.memory_space<hbm>>
        %dma_wait3A_30 = tpu.memref_squeeze %dma_wait3A_29 : memref<1x2048xi32, #tpu.memory_space<hbm>> -> memref<2048xi32, #tpu.memory_space<hbm>>
        tpu.wait_dma2 semaphore(%run_scoped3A : memref<!tpu.dma_semaphore, #tpu.memory_space<semaphore_mem>>) src(%dma_wait3A_30 : memref<2048xi32, #tpu.memory_space<hbm>>) dst(%dma_wait3A_27 : memref<2048xi32, #tpu.memory_space<vmem>>)
        tpu.yield
      }) : () -> ()
      "tpu.region"() ({
        %run_scoped3A = tpu.sem_alloc : memref<!tpu.dma_semaphore, #tpu.memory_space<semaphore_mem>>
        %dma_start3A = arith.constant 0 : i32
        %dma_start3A_13 = tpu.memref_slice %arg7[%dma_start3A] : memref<2048xi32, #tpu.memory_space<vmem>> -> memref<2048xi32, #tpu.memory_space<vmem>>
        %dma_start3A_14 = arith.constant 0 : i32
        %dma_start3A_15 = tpu.memref_slice %arg3[%add3A, %dma_start3A_14] : memref<16x2048xi32, #tpu.memory_space<hbm>> -> memref<1x2048xi32, #tpu.memory_space<hbm>>
        %dma_start3A_16 = tpu.memref_squeeze %dma_start3A_15 : memref<1x2048xi32, #tpu.memory_space<hbm>> -> memref<2048xi32, #tpu.memory_space<hbm>>
        %dma_start3A_17 = arith.constant 0 : i32
        %dma_start3A_18 = tpu.memref_slice %arg7[%dma_start3A_17] : memref<2048xi32, #tpu.memory_space<vmem>> -> memref<2048xi32, #tpu.memory_space<vmem>>
        %dma_start3A_19 = arith.constant 0 : i32
        %dma_start3A_20 = tpu.memref_slice %arg3[%add3A, %dma_start3A_19] : memref<16x2048xi32, #tpu.memory_space<hbm>> -> memref<1x2048xi32, #tpu.memory_space<hbm>>
        %dma_start3A_21 = tpu.memref_squeeze %dma_start3A_20 : memref<1x2048xi32, #tpu.memory_space<hbm>> -> memref<2048xi32, #tpu.memory_space<hbm>>
        tpu.enqueue_dma source(%dma_start3A_21 : memref<2048xi32, #tpu.memory_space<hbm>>) target(%dma_start3A_18 : memref<2048xi32, #tpu.memory_space<vmem>>) target_semaphore(%run_scoped3A : memref<!tpu.dma_semaphore, #tpu.memory_space<semaphore_mem>>)
        %dma_wait3A = arith.constant 0 : i32
        %dma_wait3A_22 = tpu.memref_slice %arg7[%dma_wait3A] : memref<2048xi32, #tpu.memory_space<vmem>> -> memref<2048xi32, #tpu.memory_space<vmem>>
        %dma_wait3A_23 = arith.constant 0 : i32
        %dma_wait3A_24 = tpu.memref_slice %arg3[%add3A, %dma_wait3A_23] : memref<16x2048xi32, #tpu.memory_space<hbm>> -> memref<1x2048xi32, #tpu.memory_space<hbm>>
        %dma_wait3A_25 = tpu.memref_squeeze %dma_wait3A_24 : memref<1x2048xi32, #tpu.memory_space<hbm>> -> memref<2048xi32, #tpu.memory_space<hbm>>
        %dma_wait3A_26 = arith.constant 0 : i32
        %dma_wait3A_27 = tpu.memref_slice %arg7[%dma_wait3A_26] : memref<2048xi32, #tpu.memory_space<vmem>> -> memref<2048xi32, #tpu.memory_space<vmem>>
        %dma_wait3A_28 = arith.constant 0 : i32
        %dma_wait3A_29 = tpu.memref_slice %arg3[%add3A, %dma_wait3A_28] : memref<16x2048xi32, #tpu.memory_space<hbm>> -> memref<1x2048xi32, #tpu.memory_space<hbm>>
        %dma_wait3A_30 = tpu.memref_squeeze %dma_wait3A_29 : memref<1x2048xi32, #tpu.memory_space<hbm>> -> memref<2048xi32, #tpu.memory_space<hbm>>
        tpu.wait_dma2 semaphore(%run_scoped3A : memref<!tpu.dma_semaphore, #tpu.memory_space<semaphore_mem>>) src(%dma_wait3A_30 : memref<2048xi32, #tpu.memory_space<hbm>>) dst(%dma_wait3A_27 : memref<2048xi32, #tpu.memory_space<vmem>>)
        tpu.yield
      }) : () -> ()
      %iota3A = tpu.iota {dimensions = array<i32: 0>} : vector<16xi32>
      %broadcast_in_dim3A = arith.constant -1 : i32
      %broadcast_in_dim3A_3 = vector.broadcast %broadcast_in_dim3A : i32 to vector<16xi32>
      %broadcast_in_dim3A_4 = arith.constant 0 : i32
      %broadcast_in_dim3A_5 = vector.broadcast %broadcast_in_dim3A_4 : i32 to vector<16xi32>
      %eq3A = arith.constant 0 : i32
      %eq3A_6 = vector.broadcast %eq3A : i32 to vector<16xi32>
      %eq3A_7 = arith.cmpi eq, %iota3A, %eq3A_6 : vector<16xi32>
      %swap3A = arith.constant 2048 : index
      %swap3A_8 = tpu.vector_load %arg5[%swap3A] {strides = array<i32>} : memref<2080xi32, #tpu.memory_space<vmem>>, vector<16xi32>,
      tpu.vector_store %arg5[%swap3A], %broadcast_in_dim3A_5 {strides = array<i32>} : memref<2080xi32, #tpu.memory_space<vmem>>, vector<16xi32>,
      %get3A = arith.constant 0 : index
      %get3A_9 = tpu.vector_load %arg5[%get3A] {strides = array<i32>} : memref<2080xi32, #tpu.memory_space<vmem>>, vector<16xi32>,
      %slice3A = vector.extract_strided_slice %get3A_9 {offsets = [0], sizes = [1], strides = [1]} : vector<16xi32> to vector<1xi32>
      %squeeze3A = vector.extract %slice3A[0] : i32 from vector<1xi32>
      %while3A = arith.constant 0 : i32
      %while3A_10:7 = scf.while (%while3A_13 = %while3A, %while3A_14 = %squeeze3A, %while3A_15 = %broadcast_in_dim3A_5, %while3A_16 = %broadcast_in_dim3A_3, %while3A_17 = %broadcast_in_dim3A_3, %while3A_18 = %broadcast_in_dim3A_5, %while3A_19 = %broadcast_in_dim3A_5) : (i32, i32, vector<16xi32>, vector<16xi32>, vector<16xi32>, vector<16xi32>, vector<16xi32>) -> (i32, i32, vector<16xi32>, vector<16xi32>, vector<16xi32>, vector<16xi32>, vector<16xi32>) {
        %lt3A_20 = arith.constant 2048 : i32
        %lt3A_21 = arith.cmpi slt, %while3A_13, %lt3A_20 : i32
        scf.condition(%lt3A_21) %while3A_13, %while3A_14, %while3A_15, %while3A_16, %while3A_17, %while3A_18, %while3A_19 : i32, i32, vector<16xi32>, vector<16xi32>, vector<16xi32>, vector<16xi32>, vector<16xi32>
      } do {
      ^bb0(%while3A_13: i32, %while3A_14: i32, %while3A_15: vector<16xi32>, %while3A_16: vector<16xi32>, %while3A_17: vector<16xi32>, %while3A_18: vector<16xi32>, %while3A_19: vector<16xi32>):
        %add3A_20 = vector.broadcast %while3A_14 : i32 to vector<16xi32>
        %add3A_21 = arith.addi %broadcast_in_dim3A_5, %add3A_20 : vector<16xi32>
        %and3A = arith.constant 15 : i32
        %and3A_22 = vector.broadcast %and3A : i32 to vector<16xi32>
        %and3A_23 = arith.andi %add3A_21, %and3A_22 : vector<16xi32>
        %shift_right_logical3A = arith.constant 4 : i32
        %shift_right_logical3A_24 = vector.broadcast %shift_right_logical3A : i32 to vector<16xi32>
        %shift_right_logical3A_25 = arith.shrui %add3A_21, %shift_right_logical3A_24 : vector<16xi32>
        %shift_right_logical3A_26 = arith.constant 4 : i32
        %shift_right_logical3A_27 = arith.shrui %while3A_14, %shift_right_logical3A_26 : i32
        %add3A_28 = arith.constant 1 : i32
        %add3A_29 = arith.addi %shift_right_logical3A_27, %add3A_28 : i32
        %get3A_30 = arith.index_cast %add3A_29 : i32 to index
        %get3A_31 = tpu.vector_load %arg5[%get3A_30] {strides = array<i32>} : memref<2080xi32, #tpu.memory_space<vmem>>, vector<16xi32>,
        %slice3A_32 = vector.extract_strided_slice %get3A_31 {offsets = [0], sizes = [1], strides = [1]} : vector<16xi32> to vector<1xi32>
        %squeeze3A_33 = vector.extract %slice3A_32[0] : i32 from vector<1xi32>
        %eq3A_34 = arith.cmpi eq, %iota3A, %while3A_16 : vector<16xi32>
        %select_n3A = arith.select %eq3A_34, %add3A_21, %while3A_19 : vector<16xi1>, vector<16xi32>
        %broadcast_in_dim3A_35 = vector.shape_cast %and3A_23 : vector<16xi32> to vector<16x1xi32>
        %gather3A = vector.shape_cast %broadcast_in_dim3A_35 : vector<16x1xi32> to vector<16xi32>
        %gather3A_36 = tpu.dynamic_gather %while3A_17[%gather3A] in [0] : vector<16xi32>, vector<16xi32> -> vector<16xi32>
        %broadcast_in_dim3A_37 = vector.shape_cast %and3A_23 : vector<16xi32> to vector<16x1xi32>
        %gather3A_38 = vector.shape_cast %broadcast_in_dim3A_37 : vector<16x1xi32> to vector<16xi32>
        %gather3A_39 = tpu.dynamic_gather %while3A_18[%gather3A_38] in [0] : vector<16xi32>, vector<16xi32> -> vector<16xi32>
        %broadcast_in_dim3A_40 = vector.shape_cast %and3A_23 : vector<16xi32> to vector<16x1xi32>
        %gather3A_41 = vector.shape_cast %broadcast_in_dim3A_40 : vector<16x1xi32> to vector<16xi32>
        %gather3A_42 = tpu.dynamic_gather %select_n3A[%gather3A_41] in [0] : vector<16xi32>, vector<16xi32> -> vector<16xi32>
        %ge3A = arith.constant 0 : i32
        %ge3A_43 = vector.broadcast %ge3A : i32 to vector<16xi32>
        %ge3A_44 = arith.cmpi sge, %gather3A_36, %ge3A_43 : vector<16xi32>
        %and3A_45 = arith.constant 4095 : i32
        %and3A_46 = vector.broadcast %and3A_45 : i32 to vector<16xi32>
        %and3A_47 = arith.andi %gather3A_36, %and3A_46 : vector<16xi32>
        %jit3A = arith.constant 0 : i32
        %broadcast_in_dim3A_48 = vector.broadcast %jit3A : i32 to vector<16xi32>
        %select_n3A_49 = arith.select %ge3A_44, %and3A_47, %broadcast_in_dim3A_48 : vector<16xi1>, vector<16xi32>
        %shift_right_arithmetic3A = arith.constant 12 : i32
        %shift_right_arithmetic3A_50 = vector.broadcast %shift_right_arithmetic3A : i32 to vector<16xi32>
        %shift_right_arithmetic3A_51 = arith.shrsi %gather3A_36, %shift_right_arithmetic3A_50 : vector<16xi32>
        %add3A_52 = arith.addi %select_n3A_49, %iota3A : vector<16xi32>
        %min3A = arith.minsi %add3A_52, %gather3A_39 : vector<16xi32>
        %select_n3A_53 = arith.select %ge3A_44, %min3A, %broadcast_in_dim3A_3 : vector<16xi1>, vector<16xi32>
        %swap3A_54 = arith.index_cast %while3A_13 : i32 to index
        %swap3A_55 = tpu.vector_load %arg6[%swap3A_54] {strides = array<i32>} : memref<2064xi32, #tpu.memory_space<vmem>>, vector<16xi32>,
        tpu.vector_store %arg6[%swap3A_54], %select_n3A_53 {strides = array<i32>} : memref<2064xi32, #tpu.memory_space<vmem>>, vector<16xi32>,
        %sub3A = arith.subi %shift_right_logical3A_27, %while3A_13 : i32
        %ge3A_56 = arith.constant 16 : i32
        %ge3A_57 = arith.cmpi sge, %sub3A, %ge3A_56 : i32
        %convert_element_type3A_58 = arith.extui %ge3A_57 : i1 to i32
        %cond3A_59 = arith.constant 0 : i32
        %cond3A_60 = arith.cmpi ne, %convert_element_type3A_58, %cond3A_59 : i32
        scf.if %cond3A_60 {
          %sub3A_148 = arith.subi %shift_right_logical3A_27, %while3A_13 : i32
          %add3A_149 = arith.constant 16 : i32
          %add3A_150 = arith.addi %sub3A_148, %add3A_149 : i32
          %jit3A_151 = arith.constant 16 : i32
          %div3A = arith.divsi %add3A_150, %jit3A_151 : i32
          %sign3A = arith.constant 0 : i32
          %sign3A_152 = arith.cmpi sgt, %add3A_150, %sign3A : i32
          %sign3A_153 = arith.extui %sign3A_152 : i1 to i32
          %sign3A_154 = arith.constant 0 : i32
          %sign3A_155 = arith.cmpi slt, %add3A_150, %sign3A_154 : i32
          %sign3A_156 = arith.extui %sign3A_155 : i1 to i32
          %sign3A_157 = arith.subi %sign3A_153, %sign3A_156 : i32
          %sign3A_158 = arith.constant 0 : i32
          %sign3A_159 = arith.cmpi sgt, %jit3A_151, %sign3A_158 : i32
          %sign3A_160 = arith.extui %sign3A_159 : i1 to i32
          %sign3A_161 = arith.constant 0 : i32
          %sign3A_162 = arith.cmpi slt, %jit3A_151, %sign3A_161 : i32
          %sign3A_163 = arith.extui %sign3A_162 : i1 to i32
          %sign3A_164 = arith.subi %sign3A_160, %sign3A_163 : i32
          %ne3A = arith.cmpi ne, %sign3A_157, %sign3A_164 : i32
          %rem3A = arith.remsi %add3A_150, %jit3A_151 : i32
          %ne3A_165 = arith.constant 0 : i32
          %ne3A_166 = arith.cmpi ne, %rem3A, %ne3A_165 : i32
          %and3A_167 = arith.andi %ne3A, %ne3A_166 : i1
          %sub3A_168 = arith.constant 1 : i32
          %sub3A_169 = arith.subi %div3A, %sub3A_168 : i32
          %select_n3A_170 = arith.select %and3A_167, %sub3A_169, %div3A : i32
          %while3A_171 = arith.constant 0 : i32
          %while3A_172 = arith.constant 1 : i32
          %while3A_173 = arith.subi %select_n3A_170, %while3A_172 : i32
          %while3A_174 = arith.addi %while3A_172, %while3A_173 : i32
          %while3A_175 = arith.constant 1 : i32
          %while3A_176 = arith.divsi %while3A_173, %while3A_175 : i32
          %while3A_177 = arith.muli %while3A_176, %while3A_175 : i32
          %while3A_178 = arith.addi %while3A_172, %while3A_177 : i32
          %while3A_179 = arith.constant 1 : i32
          scf.for %while3A_181 = %while3A_172 to %while3A_178 step %while3A_179  : i32 {
            %mul3A_182 = arith.constant 16 : i32
            %mul3A_183 = arith.muli %while3A_181, %mul3A_182 : i32
            %add3A_184 = vector.broadcast %mul3A_183 : i32 to vector<16xi32>
            %add3A_185 = arith.addi %select_n3A_49, %add3A_184 : vector<16xi32>
            %add3A_186 = arith.addi %add3A_185, %iota3A : vector<16xi32>
            %min3A_187 = arith.minsi %add3A_186, %gather3A_39 : vector<16xi32>
            %select_n3A_188 = arith.select %ge3A_44, %min3A_187, %broadcast_in_dim3A_3 : vector<16xi1>, vector<16xi32>
            %mul3A_189 = arith.constant 16 : i32
            %mul3A_190 = arith.muli %while3A_181, %mul3A_189 : i32
            %add3A_191 = arith.addi %while3A_13, %mul3A_190 : i32
            %swap3A_192 = arith.index_cast %add3A_191 : i32 to index
            %swap3A_193 = tpu.vector_load %arg6[%swap3A_192] {strides = array<i32>} : memref<2064xi32, #tpu.memory_space<vmem>>, vector<16xi32>,
            tpu.vector_store %arg6[%swap3A_192], %select_n3A_188 {strides = array<i32>} : memref<2064xi32, #tpu.memory_space<vmem>>, vector<16xi32>,
          }
          %while3A_180 = arith.constant 1 : i32
          scf.for %while3A_181 = %while3A_178 to %while3A_174 step %while3A_180  : i32 {
            %mul3A_182 = arith.constant 16 : i32
            %mul3A_183 = arith.muli %while3A_181, %mul3A_182 : i32
            %add3A_184 = vector.broadcast %mul3A_183 : i32 to vector<16xi32>
            %add3A_185 = arith.addi %select_n3A_49, %add3A_184 : vector<16xi32>
            %add3A_186 = arith.addi %add3A_185, %iota3A : vector<16xi32>
            %min3A_187 = arith.minsi %add3A_186, %gather3A_39 : vector<16xi32>
            %select_n3A_188 = arith.select %ge3A_44, %min3A_187, %broadcast_in_dim3A_3 : vector<16xi1>, vector<16xi32>
            %mul3A_189 = arith.constant 16 : i32
            %mul3A_190 = arith.muli %while3A_181, %mul3A_189 : i32
            %add3A_191 = arith.addi %while3A_13, %mul3A_190 : i32
            %swap3A_192 = arith.index_cast %add3A_191 : i32 to index
            %swap3A_193 = tpu.vector_load %arg6[%swap3A_192] {strides = array<i32>} : memref<2064xi32, #tpu.memory_space<vmem>>, vector<16xi32>,
            tpu.vector_store %arg6[%swap3A_192], %select_n3A_188 {strides = array<i32>} : memref<2064xi32, #tpu.memory_space<vmem>>, vector<16xi32>,
          }
        } else {
        }
        %sub3A_61 = arith.subi %shift_right_logical3A_25, %while3A_15 : vector<16xi32>
        %add3A_62 = arith.constant 1 : i32
        %add3A_63 = vector.broadcast %add3A_62 : i32 to vector<16xi32>
        %add3A_64 = arith.addi %sub3A_61, %add3A_63 : vector<16xi32>
        %sub3A_65 = arith.subi %gather3A_39, %select_n3A_49 : vector<16xi32>
        %add3A_66 = arith.constant 1 : i32
        %add3A_67 = vector.broadcast %add3A_66 : i32 to vector<16xi32>
        %add3A_68 = arith.addi %sub3A_65, %add3A_67 : vector<16xi32>
        %min3A_69 = arith.minsi %add3A_64, %add3A_68 : vector<16xi32>
        %sub3A_70 = arith.subi %gather3A_39, %select_n3A_49 : vector<16xi32>
        %min3A_71 = arith.minsi %min3A_69, %sub3A_70 : vector<16xi32>
        %sub3A_72 = arith.subi %gather3A_39, %select_n3A_49 : vector<16xi32>
        %gt3A = arith.cmpi sgt, %min3A_69, %sub3A_72 : vector<16xi32>
        %and3A_73 = arith.andi %ge3A_44, %gt3A : vector<16xi1>
        %add3A_74 = arith.constant 1 : i32
        %add3A_75 = vector.broadcast %add3A_74 : i32 to vector<16xi32>
        %add3A_76 = arith.addi %gather3A_39, %add3A_75 : vector<16xi32>
        %lt3A_77 = arith.constant 2048 : i32
        %lt3A_78 = vector.broadcast %lt3A_77 : i32 to vector<16xi32>
        %lt3A_79 = arith.cmpi slt, %add3A_76, %lt3A_78 : vector<16xi32>
        %and3A_80 = arith.andi %and3A_73, %lt3A_79 : vector<16xi1>
        %and3A_81 = arith.constant 15 : i32
        %and3A_82 = vector.broadcast %and3A_81 : i32 to vector<16xi32>
        %and3A_83 = arith.andi %gather3A_42, %and3A_82 : vector<16xi32>
        %shift_right_logical3A_84 = arith.constant 4 : i32
        %shift_right_logical3A_85 = vector.broadcast %shift_right_logical3A_84 : i32 to vector<16xi32>
        %shift_right_logical3A_86 = arith.shrui %gather3A_42, %shift_right_logical3A_85 : vector<16xi32>
        %add3A_87 = arith.constant 1 : i32
        %add3A_88 = vector.broadcast %add3A_87 : i32 to vector<16xi32>
        %add3A_89 = arith.addi %shift_right_logical3A_86, %add3A_88 : vector<16xi32>
        %gather3A_90 = tpu.vector_load_idx %arg5[%add3A_89] masked %eq3A_7 : memref<2080xi32, #tpu.memory_space<vmem>>[vector<16xi32>], vector<16xi32>, vector<16xi1>
        %broadcast_in_dim3A_91 = vector.shape_cast %broadcast_in_dim3A_5 : vector<16xi32> to vector<16x1xi32>
        %gather3A_92 = vector.shape_cast %broadcast_in_dim3A_91 : vector<16x1xi32> to vector<16xi32>
        %gather3A_93 = tpu.dynamic_gather %gather3A_90[%gather3A_92] in [0] : vector<16xi32>, vector<16xi32> -> vector<16xi32>
        %broadcast_in_dim3A_94 = vector.shape_cast %and3A_83 : vector<16xi32> to vector<16x1xi32>
        %gather3A_95 = vector.shape_cast %broadcast_in_dim3A_94 : vector<16x1xi32> to vector<16xi32>
        %gather3A_96 = tpu.dynamic_gather %while3A_17[%gather3A_95] in [0] : vector<16xi32>, vector<16xi32> -> vector<16xi32>
        %broadcast_in_dim3A_97 = vector.shape_cast %and3A_83 : vector<16xi32> to vector<16x1xi32>
        %gather3A_98 = vector.shape_cast %broadcast_in_dim3A_97 : vector<16x1xi32> to vector<16xi32>
        %gather3A_99 = tpu.dynamic_gather %while3A_18[%gather3A_98] in [0] : vector<16xi32>, vector<16xi32> -> vector<16xi32>
        %broadcast_in_dim3A_100 = vector.shape_cast %and3A_83 : vector<16xi32> to vector<16x1xi32>
        %gather3A_101 = vector.shape_cast %broadcast_in_dim3A_100 : vector<16x1xi32> to vector<16xi32>
        %gather3A_102 = tpu.dynamic_gather %select_n3A[%gather3A_101] in [0] : vector<16xi32>, vector<16xi32> -> vector<16xi32>
        %add3A_103 = arith.addi %shift_right_arithmetic3A_51, %min3A_69 : vector<16xi32>
        %mul3A_104 = arith.constant 4096 : i32
        %mul3A_105 = vector.broadcast %mul3A_104 : i32 to vector<16xi32>
        %mul3A_106 = arith.muli %add3A_103, %mul3A_105 : vector<16xi32>
        %add3A_107 = arith.addi %mul3A_106, %gather3A_39 : vector<16xi32>
        %add3A_108 = arith.constant 1 : i32
        %add3A_109 = vector.broadcast %add3A_108 : i32 to vector<16xi32>
        %add3A_110 = arith.addi %add3A_107, %add3A_109 : vector<16xi32>
        %jit3A_111 = arith.constant -1 : i32
        %broadcast_in_dim3A_112 = vector.broadcast %jit3A_111 : i32 to vector<16xi32>
        %select_n3A_113 = arith.select %and3A_80, %add3A_110, %broadcast_in_dim3A_112 : vector<16xi1>, vector<16xi32>
        %gt3A_114 = arith.cmpi sgt, %select_n3A_113, %gather3A_96 : vector<16xi32>
        %eq3A_115 = arith.cmpi eq, %iota3A, %and3A_83 : vector<16xi32>
        %max3A = arith.maxsi %gather3A_96, %select_n3A_113 : vector<16xi32>
        %select_n3A_116 = arith.select %eq3A_115, %max3A, %while3A_17 : vector<16xi1>, vector<16xi32>
        %select_n3A_117 = arith.select %gt3A_114, %shift_right_logical3A_86, %gather3A_99 : vector<16xi1>, vector<16xi32>
        %select_n3A_118 = arith.select %eq3A_115, %select_n3A_117, %while3A_18 : vector<16xi1>, vector<16xi32>
        %select_n3A_119 = arith.select %gt3A_114, %gather3A_93, %gather3A_102 : vector<16xi1>, vector<16xi32>
        %select_n3A_120 = arith.select %eq3A_115, %select_n3A_119, %select_n3A : vector<16xi1>, vector<16xi32>
        %gt3A_121 = arith.constant 0 : i32
        %gt3A_122 = vector.broadcast %gt3A_121 : i32 to vector<16xi32>
        %gt3A_123 = arith.cmpi sgt, %min3A_71, %gt3A_122 : vector<16xi32>
        %and3A_124 = arith.andi %ge3A_44, %gt3A_123 : vector<16xi1>
        %add3A_125 = arith.addi %shift_right_arithmetic3A_51, %min3A_71 : vector<16xi32>
        %mul3A_126 = arith.constant 4096 : i32
        %mul3A_127 = vector.broadcast %mul3A_126 : i32 to vector<16xi32>
        %mul3A_128 = arith.muli %add3A_125, %mul3A_127 : vector<16xi32>
        %add3A_129 = arith.addi %mul3A_128, %select_n3A_49 : vector<16xi32>
        %add3A_130 = arith.addi %add3A_129, %min3A_71 : vector<16xi32>
        %add3A_131 = arith.constant 4096 : i32
        %add3A_132 = vector.broadcast %add3A_131 : i32 to vector<16xi32>
        %add3A_133 = arith.addi %add3A_132, %shift_right_logical3A_25 : vector<16xi32>
        %select_n3A_134 = arith.select %and3A_124, %add3A_130, %add3A_133 : vector<16xi1>, vector<16xi32>
        %gt3A_135 = arith.cmpi sgt, %select_n3A_134, %gather3A_36 : vector<16xi32>
        %eq3A_136 = arith.cmpi eq, %iota3A, %and3A_23 : vector<16xi32>
        %max3A_137 = arith.maxsi %gather3A_36, %select_n3A_134 : vector<16xi32>
        %select_n3A_138 = arith.select %eq3A_136, %max3A_137, %select_n3A_116 : vector<16xi1>, vector<16xi32>
        %select_n3A_139 = arith.select %and3A_124, %gather3A_39, %shift_right_logical3A_25 : vector<16xi1>, vector<16xi32>
        %select_n3A_140 = arith.select %gt3A_135, %select_n3A_139, %gather3A_39 : vector<16xi1>, vector<16xi32>
        %select_n3A_141 = arith.select %eq3A_136, %select_n3A_140, %select_n3A_118 : vector<16xi1>, vector<16xi32>
        %not3A = arith.constant dense<true> : vector<16xi1>
        %not3A_142 = arith.xori %and3A_124, %not3A : vector<16xi1>
        %and3A_143 = arith.andi %gt3A_135, %not3A_142 : vector<16xi1>
        %select_n3A_144 = arith.select %and3A_143, %and3A_23, %broadcast_in_dim3A_3 : vector<16xi1>, vector<16xi32>
        %add3A_145 = arith.constant 1 : i32
        %add3A_146 = vector.broadcast %add3A_145 : i32 to vector<16xi32>
        %add3A_147 = arith.addi %shift_right_logical3A_25, %add3A_146 : vector<16xi32>
        scf.yield %add3A_29, %squeeze3A_33, %add3A_147, %select_n3A_144, %select_n3A_138, %select_n3A_141, %select_n3A_120 : i32, i32, vector<16xi32>, vector<16xi32>, vector<16xi32>, vector<16xi32>, vector<16xi32>
      }
      %parallel_loop3A = arith.constant 0 : i32
      %parallel_loop3A_11 = arith.constant 128 : i32
      %parallel_loop3A_12 = arith.constant 1 : i32
      scf.for %parallel_loop3A_13 = %parallel_loop3A to %parallel_loop3A_11 step %parallel_loop3A_12  : i32 {
        %parallel_loop3A_14 = arith.constant 16 : i32
        %parallel_loop3A_15 = arith.muli %parallel_loop3A_13, %parallel_loop3A_14 : i32
        %parallel_loop3A_16 = arith.index_cast %parallel_loop3A_15 : i32 to index
        %parallel_loop3A_17 = tpu.vector_load %arg6[%parallel_loop3A_16] {strides = array<i32>} : memref<2064xi32, #tpu.memory_space<vmem>>, vector<16xi32>,
        %parallel_loop3A_18 = arith.constant 0 : i32
        %parallel_loop3A_19 = arith.constant 2047 : i32
        %parallel_loop3A_20 = vector.broadcast %parallel_loop3A_18 : i32 to vector<16xi32>
        %parallel_loop3A_21 = arith.maxsi %parallel_loop3A_20, %parallel_loop3A_17 : vector<16xi32>
        %parallel_loop3A_22 = vector.broadcast %parallel_loop3A_19 : i32 to vector<16xi32>
        %parallel_loop3A_23 = arith.minsi %parallel_loop3A_22, %parallel_loop3A_21 : vector<16xi32>
        %parallel_loop3A_24 = tpu.vector_load_idx %arg7[%parallel_loop3A_23] : memref<2048xi32, #tpu.memory_space<vmem>>[vector<16xi32>], vector<16xi32>,
        %parallel_loop3A_25 = arith.constant 0 : i32
        %parallel_loop3A_26 = vector.broadcast %parallel_loop3A_25 : i32 to vector<16xi32>
        %parallel_loop3A_27 = arith.cmpi sge, %parallel_loop3A_17, %parallel_loop3A_26 : vector<16xi32>
        %parallel_loop3A_28 = arith.constant 32 : i32
        %parallel_loop3A_29 = vector.broadcast %parallel_loop3A_28 : i32 to vector<16xi32>
        %parallel_loop3A_30 = arith.select %parallel_loop3A_27, %parallel_loop3A_24, %parallel_loop3A_29 : vector<16xi1>, vector<16xi32>
        %parallel_loop3A_31 = arith.constant 16 : i32
        %parallel_loop3A_32 = arith.muli %parallel_loop3A_13, %parallel_loop3A_31 : i32
        %parallel_loop3A_33 = arith.index_cast %parallel_loop3A_32 : i32 to index
        %parallel_loop3A_34 = tpu.vector_load %arg6[%parallel_loop3A_33] {strides = array<i32>} : memref<2064xi32, #tpu.memory_space<vmem>>, vector<16xi32>,
        tpu.vector_store %arg6[%parallel_loop3A_33], %parallel_loop3A_30 {strides = array<i32>} : memref<2064xi32, #tpu.memory_space<vmem>>, vector<16xi32>,
      } {sc.loop_unroll_factor = 4 : i64, sc.parallel_access}
      "tpu.region"() ({
        %run_scoped3A = tpu.sem_alloc : memref<!tpu.dma_semaphore, #tpu.memory_space<semaphore_mem>>
        %dma_start3A = arith.constant 0 : i32
        %dma_start3A_13 = tpu.memref_slice %arg6[%dma_start3A] : memref<2064xi32, #tpu.memory_space<vmem>> -> memref<2048xi32, #tpu.memory_space<vmem>>
        %dma_start3A_14 = arith.constant 0 : i32
        %dma_start3A_15 = tpu.memref_slice %arg4[%add3A, %dma_start3A_14] : memref<16x2048xi32, #tpu.memory_space<hbm>> -> memref<1x2048xi32, #tpu.memory_space<hbm>>
        %dma_start3A_16 = tpu.memref_squeeze %dma_start3A_15 : memref<1x2048xi32, #tpu.memory_space<hbm>> -> memref<2048xi32, #tpu.memory_space<hbm>>
        %dma_start3A_17 = arith.constant 0 : i32
        %dma_start3A_18 = tpu.memref_slice %arg4[%add3A, %dma_start3A_17] : memref<16x2048xi32, #tpu.memory_space<hbm>> -> memref<1x2048xi32, #tpu.memory_space<hbm>>
        %dma_start3A_19 = tpu.memref_squeeze %dma_start3A_18 : memref<1x2048xi32, #tpu.memory_space<hbm>> -> memref<2048xi32, #tpu.memory_space<hbm>>
        %dma_start3A_20 = arith.constant 0 : i32
        %dma_start3A_21 = tpu.memref_slice %arg6[%dma_start3A_20] : memref<2064xi32, #tpu.memory_space<vmem>> -> memref<2048xi32, #tpu.memory_space<vmem>>
        tpu.enqueue_dma source(%dma_start3A_21 : memref<2048xi32, #tpu.memory_space<vmem>>) target(%dma_start3A_19 : memref<2048xi32, #tpu.memory_space<hbm>>) target_semaphore(%run_scoped3A : memref<!tpu.dma_semaphore, #tpu.memory_space<semaphore_mem>>)
        %dma_wait3A = arith.constant 0 : i32
        %dma_wait3A_22 = tpu.memref_slice %arg6[%dma_wait3A] : memref<2064xi32, #tpu.memory_space<vmem>> -> memref<2048xi32, #tpu.memory_space<vmem>>
        %dma_wait3A_23 = arith.constant 0 : i32
        %dma_wait3A_24 = tpu.memref_slice %arg4[%add3A, %dma_wait3A_23] : memref<16x2048xi32, #tpu.memory_space<hbm>> -> memref<1x2048xi32, #tpu.memory_space<hbm>>
        %dma_wait3A_25 = tpu.memref_squeeze %dma_wait3A_24 : memref<1x2048xi32, #tpu.memory_space<hbm>> -> memref<2048xi32, #tpu.memory_space<hbm>>
        %dma_wait3A_26 = arith.constant 0 : i32
        %dma_wait3A_27 = tpu.memref_slice %arg4[%add3A, %dma_wait3A_26] : memref<16x2048xi32, #tpu.memory_space<hbm>> -> memref<1x2048xi32, #tpu.memory_space<hbm>>
        %dma_wait3A_28 = tpu.memref_squeeze %dma_wait3A_27 : memref<1x2048xi32, #tpu.memory_space<hbm>> -> memref<2048xi32, #tpu.memory_space<hbm>>
        %dma_wait3A_29 = arith.constant 0 : i32
        %dma_wait3A_30 = tpu.memref_slice %arg6[%dma_wait3A_29] : memref<2064xi32, #tpu.memory_space<vmem>> -> memref<2048xi32, #tpu.memory_space<vmem>>
        tpu.wait_dma2 semaphore(%run_scoped3A : memref<!tpu.dma_semaphore, #tpu.memory_space<semaphore_mem>>) src(%dma_wait3A_30 : memref<2048xi32, #tpu.memory_space<vmem>>) dst(%dma_wait3A_28 : memref<2048xi32, #tpu.memory_space<hbm>>)
        tpu.yield
      }) : () -> ()
    } else {
    }
    return
  }
}

module attributes {stable_mosaic.version = 14 : i64} {
  func.func @_pre_body(%arg0: memref<16x16x2048xf32, #tpu.memory_space<vmem>>, %arg1: memref<32x16x2048xf32, #tpu.memory_space<vmem>>, %arg2: memref<16x2048xi32, #tpu.memory_space<vmem>>, %arg3: memref<16x2048xi32, #tpu.memory_space<vmem>>) attributes {dimension_semantics = [], scalar_prefetch = 0 : i64, scratch_operands = 0 : i64, tpu.core_type = #tpu.core_type<tc>} {
    %get3A = arith.constant 0 : index
    %get3A_0 = arith.constant 0 : index
    %get3A_1 = arith.constant 0 : index
    %get3A_2 = vector.load %arg0[%get3A, %get3A_0, %get3A_1] : memref<16x16x2048xf32, #tpu.memory_space<vmem>>, vector<1x16x2048xf32>
    %get3A_3 = vector.shape_cast %get3A_2 : vector<1x16x2048xf32> to vector<16x2048xf32>
    %broadcast_in_dim3A = arith.constant 0 : i32
    %broadcast_in_dim3A_4 = vector.broadcast %broadcast_in_dim3A : i32 to vector<16x2048xi32>
    %get3A_5 = arith.constant 1 : index
    %get3A_6 = arith.constant 0 : index
    %get3A_7 = arith.constant 0 : index
    %get3A_8 = vector.load %arg0[%get3A_5, %get3A_6, %get3A_7] : memref<16x16x2048xf32, #tpu.memory_space<vmem>>, vector<1x16x2048xf32>
    %get3A_9 = vector.shape_cast %get3A_8 : vector<1x16x2048xf32> to vector<16x2048xf32>
    %gt3A = arith.cmpf ogt, %get3A_9, %get3A_3 : vector<16x2048xf32>
    %select_n3A = arith.select %gt3A, %get3A_9, %get3A_3 : vector<16x2048xi1>, vector<16x2048xf32>
    %jit3A = arith.constant 1 : i32
    %broadcast_in_dim3A_10 = vector.broadcast %jit3A : i32 to vector<16x2048xi32>
    %select_n3A_11 = arith.select %gt3A, %broadcast_in_dim3A_10, %broadcast_in_dim3A_4 : vector<16x2048xi1>, vector<16x2048xi32>
    %get3A_12 = arith.constant 2 : index
    %get3A_13 = arith.constant 0 : index
    %get3A_14 = arith.constant 0 : index
    %get3A_15 = vector.load %arg0[%get3A_12, %get3A_13, %get3A_14] : memref<16x16x2048xf32, #tpu.memory_space<vmem>>, vector<1x16x2048xf32>
    %get3A_16 = vector.shape_cast %get3A_15 : vector<1x16x2048xf32> to vector<16x2048xf32>
    %gt3A_17 = arith.cmpf ogt, %get3A_16, %select_n3A : vector<16x2048xf32>
    %select_n3A_18 = arith.select %gt3A_17, %get3A_16, %select_n3A : vector<16x2048xi1>, vector<16x2048xf32>
    %jit3A_19 = arith.constant 2 : i32
    %broadcast_in_dim3A_20 = vector.broadcast %jit3A_19 : i32 to vector<16x2048xi32>
    %select_n3A_21 = arith.select %gt3A_17, %broadcast_in_dim3A_20, %select_n3A_11 : vector<16x2048xi1>, vector<16x2048xi32>
    %get3A_22 = arith.constant 3 : index
    %get3A_23 = arith.constant 0 : index
    %get3A_24 = arith.constant 0 : index
    %get3A_25 = vector.load %arg0[%get3A_22, %get3A_23, %get3A_24] : memref<16x16x2048xf32, #tpu.memory_space<vmem>>, vector<1x16x2048xf32>
    %get3A_26 = vector.shape_cast %get3A_25 : vector<1x16x2048xf32> to vector<16x2048xf32>
    %gt3A_27 = arith.cmpf ogt, %get3A_26, %select_n3A_18 : vector<16x2048xf32>
    %select_n3A_28 = arith.select %gt3A_27, %get3A_26, %select_n3A_18 : vector<16x2048xi1>, vector<16x2048xf32>
    %jit3A_29 = arith.constant 3 : i32
    %broadcast_in_dim3A_30 = vector.broadcast %jit3A_29 : i32 to vector<16x2048xi32>
    %select_n3A_31 = arith.select %gt3A_27, %broadcast_in_dim3A_30, %select_n3A_21 : vector<16x2048xi1>, vector<16x2048xi32>
    %get3A_32 = arith.constant 4 : index
    %get3A_33 = arith.constant 0 : index
    %get3A_34 = arith.constant 0 : index
    %get3A_35 = vector.load %arg0[%get3A_32, %get3A_33, %get3A_34] : memref<16x16x2048xf32, #tpu.memory_space<vmem>>, vector<1x16x2048xf32>
    %get3A_36 = vector.shape_cast %get3A_35 : vector<1x16x2048xf32> to vector<16x2048xf32>
    %gt3A_37 = arith.cmpf ogt, %get3A_36, %select_n3A_28 : vector<16x2048xf32>
    %select_n3A_38 = arith.select %gt3A_37, %get3A_36, %select_n3A_28 : vector<16x2048xi1>, vector<16x2048xf32>
    %jit3A_39 = arith.constant 4 : i32
    %broadcast_in_dim3A_40 = vector.broadcast %jit3A_39 : i32 to vector<16x2048xi32>
    %select_n3A_41 = arith.select %gt3A_37, %broadcast_in_dim3A_40, %select_n3A_31 : vector<16x2048xi1>, vector<16x2048xi32>
    %get3A_42 = arith.constant 5 : index
    %get3A_43 = arith.constant 0 : index
    %get3A_44 = arith.constant 0 : index
    %get3A_45 = vector.load %arg0[%get3A_42, %get3A_43, %get3A_44] : memref<16x16x2048xf32, #tpu.memory_space<vmem>>, vector<1x16x2048xf32>
    %get3A_46 = vector.shape_cast %get3A_45 : vector<1x16x2048xf32> to vector<16x2048xf32>
    %gt3A_47 = arith.cmpf ogt, %get3A_46, %select_n3A_38 : vector<16x2048xf32>
    %select_n3A_48 = arith.select %gt3A_47, %get3A_46, %select_n3A_38 : vector<16x2048xi1>, vector<16x2048xf32>
    %jit3A_49 = arith.constant 5 : i32
    %broadcast_in_dim3A_50 = vector.broadcast %jit3A_49 : i32 to vector<16x2048xi32>
    %select_n3A_51 = arith.select %gt3A_47, %broadcast_in_dim3A_50, %select_n3A_41 : vector<16x2048xi1>, vector<16x2048xi32>
    %get3A_52 = arith.constant 6 : index
    %get3A_53 = arith.constant 0 : index
    %get3A_54 = arith.constant 0 : index
    %get3A_55 = vector.load %arg0[%get3A_52, %get3A_53, %get3A_54] : memref<16x16x2048xf32, #tpu.memory_space<vmem>>, vector<1x16x2048xf32>
    %get3A_56 = vector.shape_cast %get3A_55 : vector<1x16x2048xf32> to vector<16x2048xf32>
    %gt3A_57 = arith.cmpf ogt, %get3A_56, %select_n3A_48 : vector<16x2048xf32>
    %select_n3A_58 = arith.select %gt3A_57, %get3A_56, %select_n3A_48 : vector<16x2048xi1>, vector<16x2048xf32>
    %jit3A_59 = arith.constant 6 : i32
    %broadcast_in_dim3A_60 = vector.broadcast %jit3A_59 : i32 to vector<16x2048xi32>
    %select_n3A_61 = arith.select %gt3A_57, %broadcast_in_dim3A_60, %select_n3A_51 : vector<16x2048xi1>, vector<16x2048xi32>
    %get3A_62 = arith.constant 7 : index
    %get3A_63 = arith.constant 0 : index
    %get3A_64 = arith.constant 0 : index
    %get3A_65 = vector.load %arg0[%get3A_62, %get3A_63, %get3A_64] : memref<16x16x2048xf32, #tpu.memory_space<vmem>>, vector<1x16x2048xf32>
    %get3A_66 = vector.shape_cast %get3A_65 : vector<1x16x2048xf32> to vector<16x2048xf32>
    %gt3A_67 = arith.cmpf ogt, %get3A_66, %select_n3A_58 : vector<16x2048xf32>
    %select_n3A_68 = arith.select %gt3A_67, %get3A_66, %select_n3A_58 : vector<16x2048xi1>, vector<16x2048xf32>
    %jit3A_69 = arith.constant 7 : i32
    %broadcast_in_dim3A_70 = vector.broadcast %jit3A_69 : i32 to vector<16x2048xi32>
    %select_n3A_71 = arith.select %gt3A_67, %broadcast_in_dim3A_70, %select_n3A_61 : vector<16x2048xi1>, vector<16x2048xi32>
    %get3A_72 = arith.constant 8 : index
    %get3A_73 = arith.constant 0 : index
    %get3A_74 = arith.constant 0 : index
    %get3A_75 = vector.load %arg0[%get3A_72, %get3A_73, %get3A_74] : memref<16x16x2048xf32, #tpu.memory_space<vmem>>, vector<1x16x2048xf32>
    %get3A_76 = vector.shape_cast %get3A_75 : vector<1x16x2048xf32> to vector<16x2048xf32>
    %gt3A_77 = arith.cmpf ogt, %get3A_76, %select_n3A_68 : vector<16x2048xf32>
    %select_n3A_78 = arith.select %gt3A_77, %get3A_76, %select_n3A_68 : vector<16x2048xi1>, vector<16x2048xf32>
    %jit3A_79 = arith.constant 8 : i32
    %broadcast_in_dim3A_80 = vector.broadcast %jit3A_79 : i32 to vector<16x2048xi32>
    %select_n3A_81 = arith.select %gt3A_77, %broadcast_in_dim3A_80, %select_n3A_71 : vector<16x2048xi1>, vector<16x2048xi32>
    %get3A_82 = arith.constant 9 : index
    %get3A_83 = arith.constant 0 : index
    %get3A_84 = arith.constant 0 : index
    %get3A_85 = vector.load %arg0[%get3A_82, %get3A_83, %get3A_84] : memref<16x16x2048xf32, #tpu.memory_space<vmem>>, vector<1x16x2048xf32>
    %get3A_86 = vector.shape_cast %get3A_85 : vector<1x16x2048xf32> to vector<16x2048xf32>
    %gt3A_87 = arith.cmpf ogt, %get3A_86, %select_n3A_78 : vector<16x2048xf32>
    %select_n3A_88 = arith.select %gt3A_87, %get3A_86, %select_n3A_78 : vector<16x2048xi1>, vector<16x2048xf32>
    %jit3A_89 = arith.constant 9 : i32
    %broadcast_in_dim3A_90 = vector.broadcast %jit3A_89 : i32 to vector<16x2048xi32>
    %select_n3A_91 = arith.select %gt3A_87, %broadcast_in_dim3A_90, %select_n3A_81 : vector<16x2048xi1>, vector<16x2048xi32>
    %get3A_92 = arith.constant 10 : index
    %get3A_93 = arith.constant 0 : index
    %get3A_94 = arith.constant 0 : index
    %get3A_95 = vector.load %arg0[%get3A_92, %get3A_93, %get3A_94] : memref<16x16x2048xf32, #tpu.memory_space<vmem>>, vector<1x16x2048xf32>
    %get3A_96 = vector.shape_cast %get3A_95 : vector<1x16x2048xf32> to vector<16x2048xf32>
    %gt3A_97 = arith.cmpf ogt, %get3A_96, %select_n3A_88 : vector<16x2048xf32>
    %select_n3A_98 = arith.select %gt3A_97, %get3A_96, %select_n3A_88 : vector<16x2048xi1>, vector<16x2048xf32>
    %jit3A_99 = arith.constant 10 : i32
    %broadcast_in_dim3A_100 = vector.broadcast %jit3A_99 : i32 to vector<16x2048xi32>
    %select_n3A_101 = arith.select %gt3A_97, %broadcast_in_dim3A_100, %select_n3A_91 : vector<16x2048xi1>, vector<16x2048xi32>
    %get3A_102 = arith.constant 11 : index
    %get3A_103 = arith.constant 0 : index
    %get3A_104 = arith.constant 0 : index
    %get3A_105 = vector.load %arg0[%get3A_102, %get3A_103, %get3A_104] : memref<16x16x2048xf32, #tpu.memory_space<vmem>>, vector<1x16x2048xf32>
    %get3A_106 = vector.shape_cast %get3A_105 : vector<1x16x2048xf32> to vector<16x2048xf32>
    %gt3A_107 = arith.cmpf ogt, %get3A_106, %select_n3A_98 : vector<16x2048xf32>
    %select_n3A_108 = arith.select %gt3A_107, %get3A_106, %select_n3A_98 : vector<16x2048xi1>, vector<16x2048xf32>
    %jit3A_109 = arith.constant 11 : i32
    %broadcast_in_dim3A_110 = vector.broadcast %jit3A_109 : i32 to vector<16x2048xi32>
    %select_n3A_111 = arith.select %gt3A_107, %broadcast_in_dim3A_110, %select_n3A_101 : vector<16x2048xi1>, vector<16x2048xi32>
    %get3A_112 = arith.constant 12 : index
    %get3A_113 = arith.constant 0 : index
    %get3A_114 = arith.constant 0 : index
    %get3A_115 = vector.load %arg0[%get3A_112, %get3A_113, %get3A_114] : memref<16x16x2048xf32, #tpu.memory_space<vmem>>, vector<1x16x2048xf32>
    %get3A_116 = vector.shape_cast %get3A_115 : vector<1x16x2048xf32> to vector<16x2048xf32>
    %gt3A_117 = arith.cmpf ogt, %get3A_116, %select_n3A_108 : vector<16x2048xf32>
    %select_n3A_118 = arith.select %gt3A_117, %get3A_116, %select_n3A_108 : vector<16x2048xi1>, vector<16x2048xf32>
    %jit3A_119 = arith.constant 12 : i32
    %broadcast_in_dim3A_120 = vector.broadcast %jit3A_119 : i32 to vector<16x2048xi32>
    %select_n3A_121 = arith.select %gt3A_117, %broadcast_in_dim3A_120, %select_n3A_111 : vector<16x2048xi1>, vector<16x2048xi32>
    %get3A_122 = arith.constant 13 : index
    %get3A_123 = arith.constant 0 : index
    %get3A_124 = arith.constant 0 : index
    %get3A_125 = vector.load %arg0[%get3A_122, %get3A_123, %get3A_124] : memref<16x16x2048xf32, #tpu.memory_space<vmem>>, vector<1x16x2048xf32>
    %get3A_126 = vector.shape_cast %get3A_125 : vector<1x16x2048xf32> to vector<16x2048xf32>
    %gt3A_127 = arith.cmpf ogt, %get3A_126, %select_n3A_118 : vector<16x2048xf32>
    %select_n3A_128 = arith.select %gt3A_127, %get3A_126, %select_n3A_118 : vector<16x2048xi1>, vector<16x2048xf32>
    %jit3A_129 = arith.constant 13 : i32
    %broadcast_in_dim3A_130 = vector.broadcast %jit3A_129 : i32 to vector<16x2048xi32>
    %select_n3A_131 = arith.select %gt3A_127, %broadcast_in_dim3A_130, %select_n3A_121 : vector<16x2048xi1>, vector<16x2048xi32>
    %get3A_132 = arith.constant 14 : index
    %get3A_133 = arith.constant 0 : index
    %get3A_134 = arith.constant 0 : index
    %get3A_135 = vector.load %arg0[%get3A_132, %get3A_133, %get3A_134] : memref<16x16x2048xf32, #tpu.memory_space<vmem>>, vector<1x16x2048xf32>
    %get3A_136 = vector.shape_cast %get3A_135 : vector<1x16x2048xf32> to vector<16x2048xf32>
    %gt3A_137 = arith.cmpf ogt, %get3A_136, %select_n3A_128 : vector<16x2048xf32>
    %select_n3A_138 = arith.select %gt3A_137, %get3A_136, %select_n3A_128 : vector<16x2048xi1>, vector<16x2048xf32>
    %jit3A_139 = arith.constant 14 : i32
    %broadcast_in_dim3A_140 = vector.broadcast %jit3A_139 : i32 to vector<16x2048xi32>
    %select_n3A_141 = arith.select %gt3A_137, %broadcast_in_dim3A_140, %select_n3A_131 : vector<16x2048xi1>, vector<16x2048xi32>
    %get3A_142 = arith.constant 15 : index
    %get3A_143 = arith.constant 0 : index
    %get3A_144 = arith.constant 0 : index
    %get3A_145 = vector.load %arg0[%get3A_142, %get3A_143, %get3A_144] : memref<16x16x2048xf32, #tpu.memory_space<vmem>>, vector<1x16x2048xf32>
    %get3A_146 = vector.shape_cast %get3A_145 : vector<1x16x2048xf32> to vector<16x2048xf32>
    %gt3A_147 = arith.cmpf ogt, %get3A_146, %select_n3A_138 : vector<16x2048xf32>
    %jit3A_148 = arith.constant 15 : i32
    %broadcast_in_dim3A_149 = vector.broadcast %jit3A_148 : i32 to vector<16x2048xi32>
    %select_n3A_150 = arith.select %gt3A_147, %broadcast_in_dim3A_149, %select_n3A_141 : vector<16x2048xi1>, vector<16x2048xi32>
    %get3A_151 = arith.constant 0 : index
    %get3A_152 = arith.constant 0 : index
    %get3A_153 = arith.constant 0 : index
    %get3A_154 = vector.load %arg1[%get3A_151, %get3A_152, %get3A_153] : memref<32x16x2048xf32, #tpu.memory_space<vmem>>, vector<1x16x2048xf32>
    %get3A_155 = vector.shape_cast %get3A_154 : vector<1x16x2048xf32> to vector<16x2048xf32>
    %broadcast_in_dim3A_156 = arith.constant 0 : i32
    %broadcast_in_dim3A_157 = vector.broadcast %broadcast_in_dim3A_156 : i32 to vector<16x2048xi32>
    %get3A_158 = arith.constant 1 : index
    %get3A_159 = arith.constant 0 : index
    %get3A_160 = arith.constant 0 : index
    %get3A_161 = vector.load %arg1[%get3A_158, %get3A_159, %get3A_160] : memref<32x16x2048xf32, #tpu.memory_space<vmem>>, vector<1x16x2048xf32>
    %get3A_162 = vector.shape_cast %get3A_161 : vector<1x16x2048xf32> to vector<16x2048xf32>
    %gt3A_163 = arith.cmpf ogt, %get3A_162, %get3A_155 : vector<16x2048xf32>
    %select_n3A_164 = arith.select %gt3A_163, %get3A_162, %get3A_155 : vector<16x2048xi1>, vector<16x2048xf32>
    %jit3A_165 = arith.constant 1 : i32
    %broadcast_in_dim3A_166 = vector.broadcast %jit3A_165 : i32 to vector<16x2048xi32>
    %select_n3A_167 = arith.select %gt3A_163, %broadcast_in_dim3A_166, %broadcast_in_dim3A_157 : vector<16x2048xi1>, vector<16x2048xi32>
    %get3A_168 = arith.constant 2 : index
    %get3A_169 = arith.constant 0 : index
    %get3A_170 = arith.constant 0 : index
    %get3A_171 = vector.load %arg1[%get3A_168, %get3A_169, %get3A_170] : memref<32x16x2048xf32, #tpu.memory_space<vmem>>, vector<1x16x2048xf32>
    %get3A_172 = vector.shape_cast %get3A_171 : vector<1x16x2048xf32> to vector<16x2048xf32>
    %gt3A_173 = arith.cmpf ogt, %get3A_172, %select_n3A_164 : vector<16x2048xf32>
    %select_n3A_174 = arith.select %gt3A_173, %get3A_172, %select_n3A_164 : vector<16x2048xi1>, vector<16x2048xf32>
    %jit3A_175 = arith.constant 2 : i32
    %broadcast_in_dim3A_176 = vector.broadcast %jit3A_175 : i32 to vector<16x2048xi32>
    %select_n3A_177 = arith.select %gt3A_173, %broadcast_in_dim3A_176, %select_n3A_167 : vector<16x2048xi1>, vector<16x2048xi32>
    %get3A_178 = arith.constant 3 : index
    %get3A_179 = arith.constant 0 : index
    %get3A_180 = arith.constant 0 : index
    %get3A_181 = vector.load %arg1[%get3A_178, %get3A_179, %get3A_180] : memref<32x16x2048xf32, #tpu.memory_space<vmem>>, vector<1x16x2048xf32>
    %get3A_182 = vector.shape_cast %get3A_181 : vector<1x16x2048xf32> to vector<16x2048xf32>
    %gt3A_183 = arith.cmpf ogt, %get3A_182, %select_n3A_174 : vector<16x2048xf32>
    %select_n3A_184 = arith.select %gt3A_183, %get3A_182, %select_n3A_174 : vector<16x2048xi1>, vector<16x2048xf32>
    %jit3A_185 = arith.constant 3 : i32
    %broadcast_in_dim3A_186 = vector.broadcast %jit3A_185 : i32 to vector<16x2048xi32>
    %select_n3A_187 = arith.select %gt3A_183, %broadcast_in_dim3A_186, %select_n3A_177 : vector<16x2048xi1>, vector<16x2048xi32>
    %get3A_188 = arith.constant 4 : index
    %get3A_189 = arith.constant 0 : index
    %get3A_190 = arith.constant 0 : index
    %get3A_191 = vector.load %arg1[%get3A_188, %get3A_189, %get3A_190] : memref<32x16x2048xf32, #tpu.memory_space<vmem>>, vector<1x16x2048xf32>
    %get3A_192 = vector.shape_cast %get3A_191 : vector<1x16x2048xf32> to vector<16x2048xf32>
    %gt3A_193 = arith.cmpf ogt, %get3A_192, %select_n3A_184 : vector<16x2048xf32>
    %select_n3A_194 = arith.select %gt3A_193, %get3A_192, %select_n3A_184 : vector<16x2048xi1>, vector<16x2048xf32>
    %jit3A_195 = arith.constant 4 : i32
    %broadcast_in_dim3A_196 = vector.broadcast %jit3A_195 : i32 to vector<16x2048xi32>
    %select_n3A_197 = arith.select %gt3A_193, %broadcast_in_dim3A_196, %select_n3A_187 : vector<16x2048xi1>, vector<16x2048xi32>
    %get3A_198 = arith.constant 5 : index
    %get3A_199 = arith.constant 0 : index
    %get3A_200 = arith.constant 0 : index
    %get3A_201 = vector.load %arg1[%get3A_198, %get3A_199, %get3A_200] : memref<32x16x2048xf32, #tpu.memory_space<vmem>>, vector<1x16x2048xf32>
    %get3A_202 = vector.shape_cast %get3A_201 : vector<1x16x2048xf32> to vector<16x2048xf32>
    %gt3A_203 = arith.cmpf ogt, %get3A_202, %select_n3A_194 : vector<16x2048xf32>
    %select_n3A_204 = arith.select %gt3A_203, %get3A_202, %select_n3A_194 : vector<16x2048xi1>, vector<16x2048xf32>
    %jit3A_205 = arith.constant 5 : i32
    %broadcast_in_dim3A_206 = vector.broadcast %jit3A_205 : i32 to vector<16x2048xi32>
    %select_n3A_207 = arith.select %gt3A_203, %broadcast_in_dim3A_206, %select_n3A_197 : vector<16x2048xi1>, vector<16x2048xi32>
    %get3A_208 = arith.constant 6 : index
    %get3A_209 = arith.constant 0 : index
    %get3A_210 = arith.constant 0 : index
    %get3A_211 = vector.load %arg1[%get3A_208, %get3A_209, %get3A_210] : memref<32x16x2048xf32, #tpu.memory_space<vmem>>, vector<1x16x2048xf32>
    %get3A_212 = vector.shape_cast %get3A_211 : vector<1x16x2048xf32> to vector<16x2048xf32>
    %gt3A_213 = arith.cmpf ogt, %get3A_212, %select_n3A_204 : vector<16x2048xf32>
    %select_n3A_214 = arith.select %gt3A_213, %get3A_212, %select_n3A_204 : vector<16x2048xi1>, vector<16x2048xf32>
    %jit3A_215 = arith.constant 6 : i32
    %broadcast_in_dim3A_216 = vector.broadcast %jit3A_215 : i32 to vector<16x2048xi32>
    %select_n3A_217 = arith.select %gt3A_213, %broadcast_in_dim3A_216, %select_n3A_207 : vector<16x2048xi1>, vector<16x2048xi32>
    %get3A_218 = arith.constant 7 : index
    %get3A_219 = arith.constant 0 : index
    %get3A_220 = arith.constant 0 : index
    %get3A_221 = vector.load %arg1[%get3A_218, %get3A_219, %get3A_220] : memref<32x16x2048xf32, #tpu.memory_space<vmem>>, vector<1x16x2048xf32>
    %get3A_222 = vector.shape_cast %get3A_221 : vector<1x16x2048xf32> to vector<16x2048xf32>
    %gt3A_223 = arith.cmpf ogt, %get3A_222, %select_n3A_214 : vector<16x2048xf32>
    %select_n3A_224 = arith.select %gt3A_223, %get3A_222, %select_n3A_214 : vector<16x2048xi1>, vector<16x2048xf32>
    %jit3A_225 = arith.constant 7 : i32
    %broadcast_in_dim3A_226 = vector.broadcast %jit3A_225 : i32 to vector<16x2048xi32>
    %select_n3A_227 = arith.select %gt3A_223, %broadcast_in_dim3A_226, %select_n3A_217 : vector<16x2048xi1>, vector<16x2048xi32>
    %get3A_228 = arith.constant 8 : index
    %get3A_229 = arith.constant 0 : index
    %get3A_230 = arith.constant 0 : index
    %get3A_231 = vector.load %arg1[%get3A_228, %get3A_229, %get3A_230] : memref<32x16x2048xf32, #tpu.memory_space<vmem>>, vector<1x16x2048xf32>
    %get3A_232 = vector.shape_cast %get3A_231 : vector<1x16x2048xf32> to vector<16x2048xf32>
    %gt3A_233 = arith.cmpf ogt, %get3A_232, %select_n3A_224 : vector<16x2048xf32>
    %select_n3A_234 = arith.select %gt3A_233, %get3A_232, %select_n3A_224 : vector<16x2048xi1>, vector<16x2048xf32>
    %jit3A_235 = arith.constant 8 : i32
    %broadcast_in_dim3A_236 = vector.broadcast %jit3A_235 : i32 to vector<16x2048xi32>
    %select_n3A_237 = arith.select %gt3A_233, %broadcast_in_dim3A_236, %select_n3A_227 : vector<16x2048xi1>, vector<16x2048xi32>
    %get3A_238 = arith.constant 9 : index
    %get3A_239 = arith.constant 0 : index
    %get3A_240 = arith.constant 0 : index
    %get3A_241 = vector.load %arg1[%get3A_238, %get3A_239, %get3A_240] : memref<32x16x2048xf32, #tpu.memory_space<vmem>>, vector<1x16x2048xf32>
    %get3A_242 = vector.shape_cast %get3A_241 : vector<1x16x2048xf32> to vector<16x2048xf32>
    %gt3A_243 = arith.cmpf ogt, %get3A_242, %select_n3A_234 : vector<16x2048xf32>
    %select_n3A_244 = arith.select %gt3A_243, %get3A_242, %select_n3A_234 : vector<16x2048xi1>, vector<16x2048xf32>
    %jit3A_245 = arith.constant 9 : i32
    %broadcast_in_dim3A_246 = vector.broadcast %jit3A_245 : i32 to vector<16x2048xi32>
    %select_n3A_247 = arith.select %gt3A_243, %broadcast_in_dim3A_246, %select_n3A_237 : vector<16x2048xi1>, vector<16x2048xi32>
    %get3A_248 = arith.constant 10 : index
    %get3A_249 = arith.constant 0 : index
    %get3A_250 = arith.constant 0 : index
    %get3A_251 = vector.load %arg1[%get3A_248, %get3A_249, %get3A_250] : memref<32x16x2048xf32, #tpu.memory_space<vmem>>, vector<1x16x2048xf32>
    %get3A_252 = vector.shape_cast %get3A_251 : vector<1x16x2048xf32> to vector<16x2048xf32>
    %gt3A_253 = arith.cmpf ogt, %get3A_252, %select_n3A_244 : vector<16x2048xf32>
    %select_n3A_254 = arith.select %gt3A_253, %get3A_252, %select_n3A_244 : vector<16x2048xi1>, vector<16x2048xf32>
    %jit3A_255 = arith.constant 10 : i32
    %broadcast_in_dim3A_256 = vector.broadcast %jit3A_255 : i32 to vector<16x2048xi32>
    %select_n3A_257 = arith.select %gt3A_253, %broadcast_in_dim3A_256, %select_n3A_247 : vector<16x2048xi1>, vector<16x2048xi32>
    %get3A_258 = arith.constant 11 : index
    %get3A_259 = arith.constant 0 : index
    %get3A_260 = arith.constant 0 : index
    %get3A_261 = vector.load %arg1[%get3A_258, %get3A_259, %get3A_260] : memref<32x16x2048xf32, #tpu.memory_space<vmem>>, vector<1x16x2048xf32>
    %get3A_262 = vector.shape_cast %get3A_261 : vector<1x16x2048xf32> to vector<16x2048xf32>
    %gt3A_263 = arith.cmpf ogt, %get3A_262, %select_n3A_254 : vector<16x2048xf32>
    %select_n3A_264 = arith.select %gt3A_263, %get3A_262, %select_n3A_254 : vector<16x2048xi1>, vector<16x2048xf32>
    %jit3A_265 = arith.constant 11 : i32
    %broadcast_in_dim3A_266 = vector.broadcast %jit3A_265 : i32 to vector<16x2048xi32>
    %select_n3A_267 = arith.select %gt3A_263, %broadcast_in_dim3A_266, %select_n3A_257 : vector<16x2048xi1>, vector<16x2048xi32>
    %get3A_268 = arith.constant 12 : index
    %get3A_269 = arith.constant 0 : index
    %get3A_270 = arith.constant 0 : index
    %get3A_271 = vector.load %arg1[%get3A_268, %get3A_269, %get3A_270] : memref<32x16x2048xf32, #tpu.memory_space<vmem>>, vector<1x16x2048xf32>
    %get3A_272 = vector.shape_cast %get3A_271 : vector<1x16x2048xf32> to vector<16x2048xf32>
    %gt3A_273 = arith.cmpf ogt, %get3A_272, %select_n3A_264 : vector<16x2048xf32>
    %select_n3A_274 = arith.select %gt3A_273, %get3A_272, %select_n3A_264 : vector<16x2048xi1>, vector<16x2048xf32>
    %jit3A_275 = arith.constant 12 : i32
    %broadcast_in_dim3A_276 = vector.broadcast %jit3A_275 : i32 to vector<16x2048xi32>
    %select_n3A_277 = arith.select %gt3A_273, %broadcast_in_dim3A_276, %select_n3A_267 : vector<16x2048xi1>, vector<16x2048xi32>
    %get3A_278 = arith.constant 13 : index
    %get3A_279 = arith.constant 0 : index
    %get3A_280 = arith.constant 0 : index
    %get3A_281 = vector.load %arg1[%get3A_278, %get3A_279, %get3A_280] : memref<32x16x2048xf32, #tpu.memory_space<vmem>>, vector<1x16x2048xf32>
    %get3A_282 = vector.shape_cast %get3A_281 : vector<1x16x2048xf32> to vector<16x2048xf32>
    %gt3A_283 = arith.cmpf ogt, %get3A_282, %select_n3A_274 : vector<16x2048xf32>
    %select_n3A_284 = arith.select %gt3A_283, %get3A_282, %select_n3A_274 : vector<16x2048xi1>, vector<16x2048xf32>
    %jit3A_285 = arith.constant 13 : i32
    %broadcast_in_dim3A_286 = vector.broadcast %jit3A_285 : i32 to vector<16x2048xi32>
    %select_n3A_287 = arith.select %gt3A_283, %broadcast_in_dim3A_286, %select_n3A_277 : vector<16x2048xi1>, vector<16x2048xi32>
    %get3A_288 = arith.constant 14 : index
    %get3A_289 = arith.constant 0 : index
    %get3A_290 = arith.constant 0 : index
    %get3A_291 = vector.load %arg1[%get3A_288, %get3A_289, %get3A_290] : memref<32x16x2048xf32, #tpu.memory_space<vmem>>, vector<1x16x2048xf32>
    %get3A_292 = vector.shape_cast %get3A_291 : vector<1x16x2048xf32> to vector<16x2048xf32>
    %gt3A_293 = arith.cmpf ogt, %get3A_292, %select_n3A_284 : vector<16x2048xf32>
    %select_n3A_294 = arith.select %gt3A_293, %get3A_292, %select_n3A_284 : vector<16x2048xi1>, vector<16x2048xf32>
    %jit3A_295 = arith.constant 14 : i32
    %broadcast_in_dim3A_296 = vector.broadcast %jit3A_295 : i32 to vector<16x2048xi32>
    %select_n3A_297 = arith.select %gt3A_293, %broadcast_in_dim3A_296, %select_n3A_287 : vector<16x2048xi1>, vector<16x2048xi32>
    %get3A_298 = arith.constant 15 : index
    %get3A_299 = arith.constant 0 : index
    %get3A_300 = arith.constant 0 : index
    %get3A_301 = vector.load %arg1[%get3A_298, %get3A_299, %get3A_300] : memref<32x16x2048xf32, #tpu.memory_space<vmem>>, vector<1x16x2048xf32>
    %get3A_302 = vector.shape_cast %get3A_301 : vector<1x16x2048xf32> to vector<16x2048xf32>
    %gt3A_303 = arith.cmpf ogt, %get3A_302, %select_n3A_294 : vector<16x2048xf32>
    %select_n3A_304 = arith.select %gt3A_303, %get3A_302, %select_n3A_294 : vector<16x2048xi1>, vector<16x2048xf32>
    %jit3A_305 = arith.constant 15 : i32
    %broadcast_in_dim3A_306 = vector.broadcast %jit3A_305 : i32 to vector<16x2048xi32>
    %select_n3A_307 = arith.select %gt3A_303, %broadcast_in_dim3A_306, %select_n3A_297 : vector<16x2048xi1>, vector<16x2048xi32>
    %get3A_308 = arith.constant 16 : index
    %get3A_309 = arith.constant 0 : index
    %get3A_310 = arith.constant 0 : index
    %get3A_311 = vector.load %arg1[%get3A_308, %get3A_309, %get3A_310] : memref<32x16x2048xf32, #tpu.memory_space<vmem>>, vector<1x16x2048xf32>
    %get3A_312 = vector.shape_cast %get3A_311 : vector<1x16x2048xf32> to vector<16x2048xf32>
    %gt3A_313 = arith.cmpf ogt, %get3A_312, %select_n3A_304 : vector<16x2048xf32>
    %select_n3A_314 = arith.select %gt3A_313, %get3A_312, %select_n3A_304 : vector<16x2048xi1>, vector<16x2048xf32>
    %jit3A_315 = arith.constant 16 : i32
    %broadcast_in_dim3A_316 = vector.broadcast %jit3A_315 : i32 to vector<16x2048xi32>
    %select_n3A_317 = arith.select %gt3A_313, %broadcast_in_dim3A_316, %select_n3A_307 : vector<16x2048xi1>, vector<16x2048xi32>
    %get3A_318 = arith.constant 17 : index
    %get3A_319 = arith.constant 0 : index
    %get3A_320 = arith.constant 0 : index
    %get3A_321 = vector.load %arg1[%get3A_318, %get3A_319, %get3A_320] : memref<32x16x2048xf32, #tpu.memory_space<vmem>>, vector<1x16x2048xf32>
    %get3A_322 = vector.shape_cast %get3A_321 : vector<1x16x2048xf32> to vector<16x2048xf32>
    %gt3A_323 = arith.cmpf ogt, %get3A_322, %select_n3A_314 : vector<16x2048xf32>
    %select_n3A_324 = arith.select %gt3A_323, %get3A_322, %select_n3A_314 : vector<16x2048xi1>, vector<16x2048xf32>
    %jit3A_325 = arith.constant 17 : i32
    %broadcast_in_dim3A_326 = vector.broadcast %jit3A_325 : i32 to vector<16x2048xi32>
    %select_n3A_327 = arith.select %gt3A_323, %broadcast_in_dim3A_326, %select_n3A_317 : vector<16x2048xi1>, vector<16x2048xi32>
    %get3A_328 = arith.constant 18 : index
    %get3A_329 = arith.constant 0 : index
    %get3A_330 = arith.constant 0 : index
    %get3A_331 = vector.load %arg1[%get3A_328, %get3A_329, %get3A_330] : memref<32x16x2048xf32, #tpu.memory_space<vmem>>, vector<1x16x2048xf32>
    %get3A_332 = vector.shape_cast %get3A_331 : vector<1x16x2048xf32> to vector<16x2048xf32>
    %gt3A_333 = arith.cmpf ogt, %get3A_332, %select_n3A_324 : vector<16x2048xf32>
    %select_n3A_334 = arith.select %gt3A_333, %get3A_332, %select_n3A_324 : vector<16x2048xi1>, vector<16x2048xf32>
    %jit3A_335 = arith.constant 18 : i32
    %broadcast_in_dim3A_336 = vector.broadcast %jit3A_335 : i32 to vector<16x2048xi32>
    %select_n3A_337 = arith.select %gt3A_333, %broadcast_in_dim3A_336, %select_n3A_327 : vector<16x2048xi1>, vector<16x2048xi32>
    %get3A_338 = arith.constant 19 : index
    %get3A_339 = arith.constant 0 : index
    %get3A_340 = arith.constant 0 : index
    %get3A_341 = vector.load %arg1[%get3A_338, %get3A_339, %get3A_340] : memref<32x16x2048xf32, #tpu.memory_space<vmem>>, vector<1x16x2048xf32>
    %get3A_342 = vector.shape_cast %get3A_341 : vector<1x16x2048xf32> to vector<16x2048xf32>
    %gt3A_343 = arith.cmpf ogt, %get3A_342, %select_n3A_334 : vector<16x2048xf32>
    %select_n3A_344 = arith.select %gt3A_343, %get3A_342, %select_n3A_334 : vector<16x2048xi1>, vector<16x2048xf32>
    %jit3A_345 = arith.constant 19 : i32
    %broadcast_in_dim3A_346 = vector.broadcast %jit3A_345 : i32 to vector<16x2048xi32>
    %select_n3A_347 = arith.select %gt3A_343, %broadcast_in_dim3A_346, %select_n3A_337 : vector<16x2048xi1>, vector<16x2048xi32>
    %get3A_348 = arith.constant 20 : index
    %get3A_349 = arith.constant 0 : index
    %get3A_350 = arith.constant 0 : index
    %get3A_351 = vector.load %arg1[%get3A_348, %get3A_349, %get3A_350] : memref<32x16x2048xf32, #tpu.memory_space<vmem>>, vector<1x16x2048xf32>
    %get3A_352 = vector.shape_cast %get3A_351 : vector<1x16x2048xf32> to vector<16x2048xf32>
    %gt3A_353 = arith.cmpf ogt, %get3A_352, %select_n3A_344 : vector<16x2048xf32>
    %select_n3A_354 = arith.select %gt3A_353, %get3A_352, %select_n3A_344 : vector<16x2048xi1>, vector<16x2048xf32>
    %jit3A_355 = arith.constant 20 : i32
    %broadcast_in_dim3A_356 = vector.broadcast %jit3A_355 : i32 to vector<16x2048xi32>
    %select_n3A_357 = arith.select %gt3A_353, %broadcast_in_dim3A_356, %select_n3A_347 : vector<16x2048xi1>, vector<16x2048xi32>
    %get3A_358 = arith.constant 21 : index
    %get3A_359 = arith.constant 0 : index
    %get3A_360 = arith.constant 0 : index
    %get3A_361 = vector.load %arg1[%get3A_358, %get3A_359, %get3A_360] : memref<32x16x2048xf32, #tpu.memory_space<vmem>>, vector<1x16x2048xf32>
    %get3A_362 = vector.shape_cast %get3A_361 : vector<1x16x2048xf32> to vector<16x2048xf32>
    %gt3A_363 = arith.cmpf ogt, %get3A_362, %select_n3A_354 : vector<16x2048xf32>
    %select_n3A_364 = arith.select %gt3A_363, %get3A_362, %select_n3A_354 : vector<16x2048xi1>, vector<16x2048xf32>
    %jit3A_365 = arith.constant 21 : i32
    %broadcast_in_dim3A_366 = vector.broadcast %jit3A_365 : i32 to vector<16x2048xi32>
    %select_n3A_367 = arith.select %gt3A_363, %broadcast_in_dim3A_366, %select_n3A_357 : vector<16x2048xi1>, vector<16x2048xi32>
    %get3A_368 = arith.constant 22 : index
    %get3A_369 = arith.constant 0 : index
    %get3A_370 = arith.constant 0 : index
    %get3A_371 = vector.load %arg1[%get3A_368, %get3A_369, %get3A_370] : memref<32x16x2048xf32, #tpu.memory_space<vmem>>, vector<1x16x2048xf32>
    %get3A_372 = vector.shape_cast %get3A_371 : vector<1x16x2048xf32> to vector<16x2048xf32>
    %gt3A_373 = arith.cmpf ogt, %get3A_372, %select_n3A_364 : vector<16x2048xf32>
    %select_n3A_374 = arith.select %gt3A_373, %get3A_372, %select_n3A_364 : vector<16x2048xi1>, vector<16x2048xf32>
    %jit3A_375 = arith.constant 22 : i32
    %broadcast_in_dim3A_376 = vector.broadcast %jit3A_375 : i32 to vector<16x2048xi32>
    %select_n3A_377 = arith.select %gt3A_373, %broadcast_in_dim3A_376, %select_n3A_367 : vector<16x2048xi1>, vector<16x2048xi32>
    %get3A_378 = arith.constant 23 : index
    %get3A_379 = arith.constant 0 : index
    %get3A_380 = arith.constant 0 : index
    %get3A_381 = vector.load %arg1[%get3A_378, %get3A_379, %get3A_380] : memref<32x16x2048xf32, #tpu.memory_space<vmem>>, vector<1x16x2048xf32>
    %get3A_382 = vector.shape_cast %get3A_381 : vector<1x16x2048xf32> to vector<16x2048xf32>
    %gt3A_383 = arith.cmpf ogt, %get3A_382, %select_n3A_374 : vector<16x2048xf32>
    %select_n3A_384 = arith.select %gt3A_383, %get3A_382, %select_n3A_374 : vector<16x2048xi1>, vector<16x2048xf32>
    %jit3A_385 = arith.constant 23 : i32
    %broadcast_in_dim3A_386 = vector.broadcast %jit3A_385 : i32 to vector<16x2048xi32>
    %select_n3A_387 = arith.select %gt3A_383, %broadcast_in_dim3A_386, %select_n3A_377 : vector<16x2048xi1>, vector<16x2048xi32>
    %get3A_388 = arith.constant 24 : index
    %get3A_389 = arith.constant 0 : index
    %get3A_390 = arith.constant 0 : index
    %get3A_391 = vector.load %arg1[%get3A_388, %get3A_389, %get3A_390] : memref<32x16x2048xf32, #tpu.memory_space<vmem>>, vector<1x16x2048xf32>
    %get3A_392 = vector.shape_cast %get3A_391 : vector<1x16x2048xf32> to vector<16x2048xf32>
    %gt3A_393 = arith.cmpf ogt, %get3A_392, %select_n3A_384 : vector<16x2048xf32>
    %select_n3A_394 = arith.select %gt3A_393, %get3A_392, %select_n3A_384 : vector<16x2048xi1>, vector<16x2048xf32>
    %jit3A_395 = arith.constant 24 : i32
    %broadcast_in_dim3A_396 = vector.broadcast %jit3A_395 : i32 to vector<16x2048xi32>
    %select_n3A_397 = arith.select %gt3A_393, %broadcast_in_dim3A_396, %select_n3A_387 : vector<16x2048xi1>, vector<16x2048xi32>
    %get3A_398 = arith.constant 25 : index
    %get3A_399 = arith.constant 0 : index
    %get3A_400 = arith.constant 0 : index
    %get3A_401 = vector.load %arg1[%get3A_398, %get3A_399, %get3A_400] : memref<32x16x2048xf32, #tpu.memory_space<vmem>>, vector<1x16x2048xf32>
    %get3A_402 = vector.shape_cast %get3A_401 : vector<1x16x2048xf32> to vector<16x2048xf32>
    %gt3A_403 = arith.cmpf ogt, %get3A_402, %select_n3A_394 : vector<16x2048xf32>
    %select_n3A_404 = arith.select %gt3A_403, %get3A_402, %select_n3A_394 : vector<16x2048xi1>, vector<16x2048xf32>
    %jit3A_405 = arith.constant 25 : i32
    %broadcast_in_dim3A_406 = vector.broadcast %jit3A_405 : i32 to vector<16x2048xi32>
    %select_n3A_407 = arith.select %gt3A_403, %broadcast_in_dim3A_406, %select_n3A_397 : vector<16x2048xi1>, vector<16x2048xi32>
    %get3A_408 = arith.constant 26 : index
    %get3A_409 = arith.constant 0 : index
    %get3A_410 = arith.constant 0 : index
    %get3A_411 = vector.load %arg1[%get3A_408, %get3A_409, %get3A_410] : memref<32x16x2048xf32, #tpu.memory_space<vmem>>, vector<1x16x2048xf32>
    %get3A_412 = vector.shape_cast %get3A_411 : vector<1x16x2048xf32> to vector<16x2048xf32>
    %gt3A_413 = arith.cmpf ogt, %get3A_412, %select_n3A_404 : vector<16x2048xf32>
    %select_n3A_414 = arith.select %gt3A_413, %get3A_412, %select_n3A_404 : vector<16x2048xi1>, vector<16x2048xf32>
    %jit3A_415 = arith.constant 26 : i32
    %broadcast_in_dim3A_416 = vector.broadcast %jit3A_415 : i32 to vector<16x2048xi32>
    %select_n3A_417 = arith.select %gt3A_413, %broadcast_in_dim3A_416, %select_n3A_407 : vector<16x2048xi1>, vector<16x2048xi32>
    %get3A_418 = arith.constant 27 : index
    %get3A_419 = arith.constant 0 : index
    %get3A_420 = arith.constant 0 : index
    %get3A_421 = vector.load %arg1[%get3A_418, %get3A_419, %get3A_420] : memref<32x16x2048xf32, #tpu.memory_space<vmem>>, vector<1x16x2048xf32>
    %get3A_422 = vector.shape_cast %get3A_421 : vector<1x16x2048xf32> to vector<16x2048xf32>
    %gt3A_423 = arith.cmpf ogt, %get3A_422, %select_n3A_414 : vector<16x2048xf32>
    %select_n3A_424 = arith.select %gt3A_423, %get3A_422, %select_n3A_414 : vector<16x2048xi1>, vector<16x2048xf32>
    %jit3A_425 = arith.constant 27 : i32
    %broadcast_in_dim3A_426 = vector.broadcast %jit3A_425 : i32 to vector<16x2048xi32>
    %select_n3A_427 = arith.select %gt3A_423, %broadcast_in_dim3A_426, %select_n3A_417 : vector<16x2048xi1>, vector<16x2048xi32>
    %get3A_428 = arith.constant 28 : index
    %get3A_429 = arith.constant 0 : index
    %get3A_430 = arith.constant 0 : index
    %get3A_431 = vector.load %arg1[%get3A_428, %get3A_429, %get3A_430] : memref<32x16x2048xf32, #tpu.memory_space<vmem>>, vector<1x16x2048xf32>
    %get3A_432 = vector.shape_cast %get3A_431 : vector<1x16x2048xf32> to vector<16x2048xf32>
    %gt3A_433 = arith.cmpf ogt, %get3A_432, %select_n3A_424 : vector<16x2048xf32>
    %select_n3A_434 = arith.select %gt3A_433, %get3A_432, %select_n3A_424 : vector<16x2048xi1>, vector<16x2048xf32>
    %jit3A_435 = arith.constant 28 : i32
    %broadcast_in_dim3A_436 = vector.broadcast %jit3A_435 : i32 to vector<16x2048xi32>
    %select_n3A_437 = arith.select %gt3A_433, %broadcast_in_dim3A_436, %select_n3A_427 : vector<16x2048xi1>, vector<16x2048xi32>
    %get3A_438 = arith.constant 29 : index
    %get3A_439 = arith.constant 0 : index
    %get3A_440 = arith.constant 0 : index
    %get3A_441 = vector.load %arg1[%get3A_438, %get3A_439, %get3A_440] : memref<32x16x2048xf32, #tpu.memory_space<vmem>>, vector<1x16x2048xf32>
    %get3A_442 = vector.shape_cast %get3A_441 : vector<1x16x2048xf32> to vector<16x2048xf32>
    %gt3A_443 = arith.cmpf ogt, %get3A_442, %select_n3A_434 : vector<16x2048xf32>
    %select_n3A_444 = arith.select %gt3A_443, %get3A_442, %select_n3A_434 : vector<16x2048xi1>, vector<16x2048xf32>
    %jit3A_445 = arith.constant 29 : i32
    %broadcast_in_dim3A_446 = vector.broadcast %jit3A_445 : i32 to vector<16x2048xi32>
    %select_n3A_447 = arith.select %gt3A_443, %broadcast_in_dim3A_446, %select_n3A_437 : vector<16x2048xi1>, vector<16x2048xi32>
    %get3A_448 = arith.constant 30 : index
    %get3A_449 = arith.constant 0 : index
    %get3A_450 = arith.constant 0 : index
    %get3A_451 = vector.load %arg1[%get3A_448, %get3A_449, %get3A_450] : memref<32x16x2048xf32, #tpu.memory_space<vmem>>, vector<1x16x2048xf32>
    %get3A_452 = vector.shape_cast %get3A_451 : vector<1x16x2048xf32> to vector<16x2048xf32>
    %gt3A_453 = arith.cmpf ogt, %get3A_452, %select_n3A_444 : vector<16x2048xf32>
    %select_n3A_454 = arith.select %gt3A_453, %get3A_452, %select_n3A_444 : vector<16x2048xi1>, vector<16x2048xf32>
    %jit3A_455 = arith.constant 30 : i32
    %broadcast_in_dim3A_456 = vector.broadcast %jit3A_455 : i32 to vector<16x2048xi32>
    %select_n3A_457 = arith.select %gt3A_453, %broadcast_in_dim3A_456, %select_n3A_447 : vector<16x2048xi1>, vector<16x2048xi32>
    %get3A_458 = arith.constant 31 : index
    %get3A_459 = arith.constant 0 : index
    %get3A_460 = arith.constant 0 : index
    %get3A_461 = vector.load %arg1[%get3A_458, %get3A_459, %get3A_460] : memref<32x16x2048xf32, #tpu.memory_space<vmem>>, vector<1x16x2048xf32>
    %get3A_462 = vector.shape_cast %get3A_461 : vector<1x16x2048xf32> to vector<16x2048xf32>
    %gt3A_463 = arith.cmpf ogt, %get3A_462, %select_n3A_454 : vector<16x2048xf32>
    %jit3A_464 = arith.constant 31 : i32
    %broadcast_in_dim3A_465 = vector.broadcast %jit3A_464 : i32 to vector<16x2048xi32>
    %select_n3A_466 = arith.select %gt3A_463, %broadcast_in_dim3A_465, %select_n3A_457 : vector<16x2048xi1>, vector<16x2048xi32>
    %swap3A = arith.constant 0 : index
    %swap3A_467 = arith.constant 0 : index
    %swap3A_468 = vector.load %arg3[%swap3A, %swap3A_467] : memref<16x2048xi32, #tpu.memory_space<vmem>>, vector<16x2048xi32>
    tpu.vector_store %arg3[%swap3A, %swap3A_467], %select_n3A_466 {strides = array<i32>} : memref<16x2048xi32, #tpu.memory_space<vmem>>, vector<16x2048xi32>,
    %slice3A = vector.extract_strided_slice %select_n3A_150 {offsets = [0, 1], sizes = [16, 2047], strides = [1, 1]} : vector<16x2048xi32> to vector<16x2047xi32>
    %broadcast_in_dim3A_469 = arith.constant -1 : i32
    %broadcast_in_dim3A_470 = vector.broadcast %broadcast_in_dim3A_469 : i32 to vector<16x1xi32>
    %concatenate3A = tpu.concatenate %slice3A, %broadcast_in_dim3A_470 in 1 : vector<16x2047xi32>, vector<16x1xi32> -> vector<16x2048xi32>
    %ne3A = arith.cmpi ne, %select_n3A_150, %concatenate3A : vector<16x2048xi32>
    %iota3A = tpu.iota {dimensions = array<i32: 1>} : vector<16x2048xi32>
    %jit3A_471 = arith.constant 2048 : i32
    %broadcast_in_dim3A_472 = vector.broadcast %jit3A_471 : i32 to vector<16x2048xi32>
    %select_n3A_473 = arith.select %ne3A, %iota3A, %broadcast_in_dim3A_472 : vector<16x2048xi1>, vector<16x2048xi32>
    %slice3A_474 = vector.extract_strided_slice %select_n3A_473 {offsets = [0, 1], sizes = [16, 2047], strides = [1, 1]} : vector<16x2048xi32> to vector<16x2047xi32>
    %broadcast_in_dim3A_475 = arith.constant 2048 : i32
    %broadcast_in_dim3A_476 = vector.broadcast %broadcast_in_dim3A_475 : i32 to vector<16x1xi32>
    %concatenate3A_477 = tpu.concatenate %slice3A_474, %broadcast_in_dim3A_476 in 1 : vector<16x2047xi32>, vector<16x1xi32> -> vector<16x2048xi32>
    %min3A = arith.minsi %select_n3A_473, %concatenate3A_477 : vector<16x2048xi32>
    %slice3A_478 = vector.extract_strided_slice %min3A {offsets = [0, 2], sizes = [16, 2046], strides = [1, 1]} : vector<16x2048xi32> to vector<16x2046xi32>
    %broadcast_in_dim3A_479 = arith.constant 2048 : i32
    %broadcast_in_dim3A_480 = vector.broadcast %broadcast_in_dim3A_479 : i32 to vector<16x2xi32>
    %concatenate3A_481 = tpu.concatenate %slice3A_478, %broadcast_in_dim3A_480 in 1 : vector<16x2046xi32>, vector<16x2xi32> -> vector<16x2048xi32>
    %min3A_482 = arith.minsi %min3A, %concatenate3A_481 : vector<16x2048xi32>
    %slice3A_483 = vector.extract_strided_slice %min3A_482 {offsets = [0, 4], sizes = [16, 2044], strides = [1, 1]} : vector<16x2048xi32> to vector<16x2044xi32>
    %broadcast_in_dim3A_484 = arith.constant 2048 : i32
    %broadcast_in_dim3A_485 = vector.broadcast %broadcast_in_dim3A_484 : i32 to vector<16x4xi32>
    %concatenate3A_486 = tpu.concatenate %slice3A_483, %broadcast_in_dim3A_485 in 1 : vector<16x2044xi32>, vector<16x4xi32> -> vector<16x2048xi32>
    %min3A_487 = arith.minsi %min3A_482, %concatenate3A_486 : vector<16x2048xi32>
    %slice3A_488 = vector.extract_strided_slice %min3A_487 {offsets = [0, 8], sizes = [16, 2040], strides = [1, 1]} : vector<16x2048xi32> to vector<16x2040xi32>
    %broadcast_in_dim3A_489 = arith.constant 2048 : i32
    %broadcast_in_dim3A_490 = vector.broadcast %broadcast_in_dim3A_489 : i32 to vector<16x8xi32>
    %concatenate3A_491 = tpu.concatenate %slice3A_488, %broadcast_in_dim3A_490 in 1 : vector<16x2040xi32>, vector<16x8xi32> -> vector<16x2048xi32>
    %min3A_492 = arith.minsi %min3A_487, %concatenate3A_491 : vector<16x2048xi32>
    %slice3A_493 = vector.extract_strided_slice %min3A_492 {offsets = [0, 16], sizes = [16, 2032], strides = [1, 1]} : vector<16x2048xi32> to vector<16x2032xi32>
    %broadcast_in_dim3A_494 = arith.constant 2048 : i32
    %broadcast_in_dim3A_495 = vector.broadcast %broadcast_in_dim3A_494 : i32 to vector<16x16xi32>
    %concatenate3A_496 = tpu.concatenate %slice3A_493, %broadcast_in_dim3A_495 in 1 : vector<16x2032xi32>, vector<16x16xi32> -> vector<16x2048xi32>
    %min3A_497 = arith.minsi %min3A_492, %concatenate3A_496 : vector<16x2048xi32>
    %slice3A_498 = vector.extract_strided_slice %min3A_497 {offsets = [0, 32], sizes = [16, 2016], strides = [1, 1]} : vector<16x2048xi32> to vector<16x2016xi32>
    %broadcast_in_dim3A_499 = arith.constant 2048 : i32
    %broadcast_in_dim3A_500 = vector.broadcast %broadcast_in_dim3A_499 : i32 to vector<16x32xi32>
    %concatenate3A_501 = tpu.concatenate %slice3A_498, %broadcast_in_dim3A_500 in 1 : vector<16x2016xi32>, vector<16x32xi32> -> vector<16x2048xi32>
    %min3A_502 = arith.minsi %min3A_497, %concatenate3A_501 : vector<16x2048xi32>
    %slice3A_503 = vector.extract_strided_slice %min3A_502 {offsets = [0, 64], sizes = [16, 1984], strides = [1, 1]} : vector<16x2048xi32> to vector<16x1984xi32>
    %broadcast_in_dim3A_504 = arith.constant 2048 : i32
    %broadcast_in_dim3A_505 = vector.broadcast %broadcast_in_dim3A_504 : i32 to vector<16x64xi32>
    %concatenate3A_506 = tpu.concatenate %slice3A_503, %broadcast_in_dim3A_505 in 1 : vector<16x1984xi32>, vector<16x64xi32> -> vector<16x2048xi32>
    %min3A_507 = arith.minsi %min3A_502, %concatenate3A_506 : vector<16x2048xi32>
    %slice3A_508 = vector.extract_strided_slice %min3A_507 {offsets = [0, 128], sizes = [16, 1920], strides = [1, 1]} : vector<16x2048xi32> to vector<16x1920xi32>
    %broadcast_in_dim3A_509 = arith.constant 2048 : i32
    %broadcast_in_dim3A_510 = vector.broadcast %broadcast_in_dim3A_509 : i32 to vector<16x128xi32>
    %concatenate3A_511 = tpu.concatenate %slice3A_508, %broadcast_in_dim3A_510 in 1 : vector<16x1920xi32>, vector<16x128xi32> -> vector<16x2048xi32>
    %min3A_512 = arith.minsi %min3A_507, %concatenate3A_511 : vector<16x2048xi32>
    %slice3A_513 = vector.extract_strided_slice %min3A_512 {offsets = [0, 256], sizes = [16, 1792], strides = [1, 1]} : vector<16x2048xi32> to vector<16x1792xi32>
    %broadcast_in_dim3A_514 = arith.constant 2048 : i32
    %broadcast_in_dim3A_515 = vector.broadcast %broadcast_in_dim3A_514 : i32 to vector<16x256xi32>
    %concatenate3A_516 = tpu.concatenate %slice3A_513, %broadcast_in_dim3A_515 in 1 : vector<16x1792xi32>, vector<16x256xi32> -> vector<16x2048xi32>
    %min3A_517 = arith.minsi %min3A_512, %concatenate3A_516 : vector<16x2048xi32>
    %slice3A_518 = vector.extract_strided_slice %min3A_517 {offsets = [0, 512], sizes = [16, 1536], strides = [1, 1]} : vector<16x2048xi32> to vector<16x1536xi32>
    %broadcast_in_dim3A_519 = arith.constant 2048 : i32
    %broadcast_in_dim3A_520 = vector.broadcast %broadcast_in_dim3A_519 : i32 to vector<16x512xi32>
    %concatenate3A_521 = tpu.concatenate %slice3A_518, %broadcast_in_dim3A_520 in 1 : vector<16x1536xi32>, vector<16x512xi32> -> vector<16x2048xi32>
    %min3A_522 = arith.minsi %min3A_517, %concatenate3A_521 : vector<16x2048xi32>
    %slice3A_523 = vector.extract_strided_slice %min3A_522 {offsets = [0, 1024], sizes = [16, 1024], strides = [1, 1]} : vector<16x2048xi32> to vector<16x1024xi32>
    %broadcast_in_dim3A_524 = arith.constant 2048 : i32
    %broadcast_in_dim3A_525 = vector.broadcast %broadcast_in_dim3A_524 : i32 to vector<16x1024xi32>
    %concatenate3A_526 = tpu.concatenate %slice3A_523, %broadcast_in_dim3A_525 in 1 : vector<16x1024xi32>, vector<16x1024xi32> -> vector<16x2048xi32>
    %min3A_527 = arith.minsi %min3A_522, %concatenate3A_526 : vector<16x2048xi32>
    %mul3A = arith.constant 16 : i32
    %mul3A_528 = vector.broadcast %mul3A : i32 to vector<16x2048xi32>
    %mul3A_529 = arith.muli %min3A_527, %mul3A_528 : vector<16x2048xi32>
    %add3A = arith.addi %mul3A_529, %select_n3A_150 : vector<16x2048xi32>
    %swap3A_530 = arith.constant 0 : index
    %swap3A_531 = arith.constant 0 : index
    %swap3A_532 = vector.load %arg2[%swap3A_530, %swap3A_531] : memref<16x2048xi32, #tpu.memory_space<vmem>>, vector<16x2048xi32>
    tpu.vector_store %arg2[%swap3A_530, %swap3A_531], %add3A {strides = array<i32>} : memref<16x2048xi32, #tpu.memory_space<vmem>>, vector<16x2048xi32>,
    return
  }
}

module attributes {stable_mosaic.version = 14 : i64} {
  func.func @_emb_body(%arg0: i32, %arg1: memref<1x4x2048xi32, #tpu.memory_space<vmem>>, %arg2: memref<4x32x64xf32, #tpu.memory_space<vmem>>, %arg3: memref<1x2048x256xf32, #tpu.memory_space<vmem>>) attributes {dimension_semantics = [#tpu.dimension_semantics<arbitrary>], iteration_bounds = array<i64: 4>, scalar_prefetch = 0 : i64, scratch_operands = 0 : i64, tpu.core_type = #tpu.core_type<tc>, window_params = [{transform_indices = @transform_0, window_bounds = array<i64: 1, 4, 2048>}, {pipeline_mode = #tpu.pipeline_mode<synchronous>, transform_indices = @transform_1, window_bounds = array<i64: 4, 32, 64>}, {transform_indices = @transform_2, window_bounds = array<i64: 1, 2048, 256>}]} {
    %iota3A = tpu.iota {dimensions = array<i32: 0>} : vector<32x2048xi32>
    %get3A = arith.constant 0 : index
    %get3A_0 = arith.constant 0 : index
    %get3A_1 = arith.constant 0 : index
    %get3A_2 = vector.load %arg1[%get3A, %get3A_0, %get3A_1] : memref<1x4x2048xi32, #tpu.memory_space<vmem>>, vector<1x1x2048xi32>
    %get3A_3 = vector.shape_cast %get3A_2 : vector<1x1x2048xi32> to vector<2048xi32>
    %broadcast_in_dim3A = vector.shape_cast %get3A_3 : vector<2048xi32> to vector<1x2048xi32>
    %eq3A = vector.broadcast %broadcast_in_dim3A : vector<1x2048xi32> to vector<32x2048xi32>
    %eq3A_4 = arith.cmpi eq, %eq3A, %iota3A : vector<32x2048xi32>
    %convert_element_type3A = arith.extui %eq3A_4 : vector<32x2048xi1> to vector<32x2048xi32>
    %convert_element_type3A_5 = arith.sitofp %convert_element_type3A : vector<32x2048xi32> to vector<32x2048xf32>
    %get3A_6 = arith.constant 0 : index
    %get3A_7 = arith.constant 0 : index
    %get3A_8 = arith.constant 0 : index
    %get3A_9 = vector.load %arg2[%get3A_6, %get3A_7, %get3A_8] : memref<4x32x64xf32, #tpu.memory_space<vmem>>, vector<1x32x64xf32>
    %get3A_10 = vector.shape_cast %get3A_9 : vector<1x32x64xf32> to vector<32x64xf32>
    %dot_general3A = arith.constant dense<0.000000e+00> : vector<2048x64xf32>
    %dot_general3A_11 = tpu.matmul %convert_element_type3A_5, %get3A_10, %dot_general3A {dimension_numbers = #tpu.dot_dimension_numbers<[0], [0], [1], [1], [0, 1, 1, 1], [], []>, precision = #tpu.contract_precision<fp32>, transpose_lhs_hint = false} : vector<32x2048xf32>, vector<32x64xf32>, vector<2048x64xf32> -> vector<2048x64xf32>
    %swap3A = arith.constant 0 : index
    %swap3A_12 = arith.constant 0 : index
    %swap3A_13 = arith.constant 0 : index
    %swap3A_14 = vector.load %arg3[%swap3A, %swap3A_12, %swap3A_13] : memref<1x2048x256xf32, #tpu.memory_space<vmem>>, vector<1x2048x64xf32>
    %swap3A_15 = vector.shape_cast %swap3A_14 : vector<1x2048x64xf32> to vector<2048x64xf32>
    %swap3A_16 = vector.shape_cast %dot_general3A_11 : vector<2048x64xf32> to vector<1x2048x64xf32>
    tpu.vector_store %arg3[%swap3A, %swap3A_12, %swap3A_13], %swap3A_16 {strides = array<i32>} : memref<1x2048x256xf32, #tpu.memory_space<vmem>>, vector<1x2048x64xf32>,
    %get3A_17 = arith.constant 0 : index
    %get3A_18 = arith.constant 1 : index
    %get3A_19 = arith.constant 0 : index
    %get3A_20 = vector.load %arg1[%get3A_17, %get3A_18, %get3A_19] : memref<1x4x2048xi32, #tpu.memory_space<vmem>>, vector<1x1x2048xi32>
    %get3A_21 = vector.shape_cast %get3A_20 : vector<1x1x2048xi32> to vector<2048xi32>
    %broadcast_in_dim3A_22 = vector.shape_cast %get3A_21 : vector<2048xi32> to vector<1x2048xi32>
    %eq3A_23 = vector.broadcast %broadcast_in_dim3A_22 : vector<1x2048xi32> to vector<32x2048xi32>
    %eq3A_24 = arith.cmpi eq, %eq3A_23, %iota3A : vector<32x2048xi32>
    %convert_element_type3A_25 = arith.extui %eq3A_24 : vector<32x2048xi1> to vector<32x2048xi32>
    %convert_element_type3A_26 = arith.sitofp %convert_element_type3A_25 : vector<32x2048xi32> to vector<32x2048xf32>
    %get3A_27 = arith.constant 1 : index
    %get3A_28 = arith.constant 0 : index
    %get3A_29 = arith.constant 0 : index
    %get3A_30 = vector.load %arg2[%get3A_27, %get3A_28, %get3A_29] : memref<4x32x64xf32, #tpu.memory_space<vmem>>, vector<1x32x64xf32>
    %get3A_31 = vector.shape_cast %get3A_30 : vector<1x32x64xf32> to vector<32x64xf32>
    %dot_general3A_32 = arith.constant dense<0.000000e+00> : vector<2048x64xf32>
    %dot_general3A_33 = tpu.matmul %convert_element_type3A_26, %get3A_31, %dot_general3A_32 {dimension_numbers = #tpu.dot_dimension_numbers<[0], [0], [1], [1], [0, 1, 1, 1], [], []>, precision = #tpu.contract_precision<fp32>, transpose_lhs_hint = false} : vector<32x2048xf32>, vector<32x64xf32>, vector<2048x64xf32> -> vector<2048x64xf32>
    %swap3A_34 = arith.constant 0 : index
    %swap3A_35 = arith.constant 0 : index
    %swap3A_36 = arith.constant 64 : index
    %swap3A_37 = vector.load %arg3[%swap3A_34, %swap3A_35, %swap3A_36] : memref<1x2048x256xf32, #tpu.memory_space<vmem>>, vector<1x2048x64xf32>
    %swap3A_38 = vector.shape_cast %swap3A_37 : vector<1x2048x64xf32> to vector<2048x64xf32>
    %swap3A_39 = vector.shape_cast %dot_general3A_33 : vector<2048x64xf32> to vector<1x2048x64xf32>
    tpu.vector_store %arg3[%swap3A_34, %swap3A_35, %swap3A_36], %swap3A_39 {strides = array<i32>} : memref<1x2048x256xf32, #tpu.memory_space<vmem>>, vector<1x2048x64xf32>,
    %get3A_40 = arith.constant 0 : index
    %get3A_41 = arith.constant 2 : index
    %get3A_42 = arith.constant 0 : index
    %get3A_43 = vector.load %arg1[%get3A_40, %get3A_41, %get3A_42] : memref<1x4x2048xi32, #tpu.memory_space<vmem>>, vector<1x1x2048xi32>
    %get3A_44 = vector.shape_cast %get3A_43 : vector<1x1x2048xi32> to vector<2048xi32>
    %broadcast_in_dim3A_45 = vector.shape_cast %get3A_44 : vector<2048xi32> to vector<1x2048xi32>
    %eq3A_46 = vector.broadcast %broadcast_in_dim3A_45 : vector<1x2048xi32> to vector<32x2048xi32>
    %eq3A_47 = arith.cmpi eq, %eq3A_46, %iota3A : vector<32x2048xi32>
    %convert_element_type3A_48 = arith.extui %eq3A_47 : vector<32x2048xi1> to vector<32x2048xi32>
    %convert_element_type3A_49 = arith.sitofp %convert_element_type3A_48 : vector<32x2048xi32> to vector<32x2048xf32>
    %get3A_50 = arith.constant 2 : index
    %get3A_51 = arith.constant 0 : index
    %get3A_52 = arith.constant 0 : index
    %get3A_53 = vector.load %arg2[%get3A_50, %get3A_51, %get3A_52] : memref<4x32x64xf32, #tpu.memory_space<vmem>>, vector<1x32x64xf32>
    %get3A_54 = vector.shape_cast %get3A_53 : vector<1x32x64xf32> to vector<32x64xf32>
    %dot_general3A_55 = arith.constant dense<0.000000e+00> : vector<2048x64xf32>
    %dot_general3A_56 = tpu.matmul %convert_element_type3A_49, %get3A_54, %dot_general3A_55 {dimension_numbers = #tpu.dot_dimension_numbers<[0], [0], [1], [1], [0, 1, 1, 1], [], []>, precision = #tpu.contract_precision<fp32>, transpose_lhs_hint = false} : vector<32x2048xf32>, vector<32x64xf32>, vector<2048x64xf32> -> vector<2048x64xf32>
    %swap3A_57 = arith.constant 0 : index
    %swap3A_58 = arith.constant 0 : index
    %swap3A_59 = arith.constant 128 : index
    %swap3A_60 = vector.load %arg3[%swap3A_57, %swap3A_58, %swap3A_59] : memref<1x2048x256xf32, #tpu.memory_space<vmem>>, vector<1x2048x64xf32>
    %swap3A_61 = vector.shape_cast %swap3A_60 : vector<1x2048x64xf32> to vector<2048x64xf32>
    %swap3A_62 = vector.shape_cast %dot_general3A_56 : vector<2048x64xf32> to vector<1x2048x64xf32>
    tpu.vector_store %arg3[%swap3A_57, %swap3A_58, %swap3A_59], %swap3A_62 {strides = array<i32>} : memref<1x2048x256xf32, #tpu.memory_space<vmem>>, vector<1x2048x64xf32>,
    %get3A_63 = arith.constant 0 : index
    %get3A_64 = arith.constant 3 : index
    %get3A_65 = arith.constant 0 : index
    %get3A_66 = vector.load %arg1[%get3A_63, %get3A_64, %get3A_65] : memref<1x4x2048xi32, #tpu.memory_space<vmem>>, vector<1x1x2048xi32>
    %get3A_67 = vector.shape_cast %get3A_66 : vector<1x1x2048xi32> to vector<2048xi32>
    %broadcast_in_dim3A_68 = vector.shape_cast %get3A_67 : vector<2048xi32> to vector<1x2048xi32>
    %eq3A_69 = vector.broadcast %broadcast_in_dim3A_68 : vector<1x2048xi32> to vector<32x2048xi32>
    %eq3A_70 = arith.cmpi eq, %eq3A_69, %iota3A : vector<32x2048xi32>
    %convert_element_type3A_71 = arith.extui %eq3A_70 : vector<32x2048xi1> to vector<32x2048xi32>
    %convert_element_type3A_72 = arith.sitofp %convert_element_type3A_71 : vector<32x2048xi32> to vector<32x2048xf32>
    %get3A_73 = arith.constant 3 : index
    %get3A_74 = arith.constant 0 : index
    %get3A_75 = arith.constant 0 : index
    %get3A_76 = vector.load %arg2[%get3A_73, %get3A_74, %get3A_75] : memref<4x32x64xf32, #tpu.memory_space<vmem>>, vector<1x32x64xf32>
    %get3A_77 = vector.shape_cast %get3A_76 : vector<1x32x64xf32> to vector<32x64xf32>
    %dot_general3A_78 = arith.constant dense<0.000000e+00> : vector<2048x64xf32>
    %dot_general3A_79 = tpu.matmul %convert_element_type3A_72, %get3A_77, %dot_general3A_78 {dimension_numbers = #tpu.dot_dimension_numbers<[0], [0], [1], [1], [0, 1, 1, 1], [], []>, precision = #tpu.contract_precision<fp32>, transpose_lhs_hint = false} : vector<32x2048xf32>, vector<32x64xf32>, vector<2048x64xf32> -> vector<2048x64xf32>
    %swap3A_80 = arith.constant 0 : index
    %swap3A_81 = arith.constant 0 : index
    %swap3A_82 = arith.constant 192 : index
    %swap3A_83 = vector.load %arg3[%swap3A_80, %swap3A_81, %swap3A_82] : memref<1x2048x256xf32, #tpu.memory_space<vmem>>, vector<1x2048x64xf32>
    %swap3A_84 = vector.shape_cast %swap3A_83 : vector<1x2048x64xf32> to vector<2048x64xf32>
    %swap3A_85 = vector.shape_cast %dot_general3A_79 : vector<2048x64xf32> to vector<1x2048x64xf32>
    tpu.vector_store %arg3[%swap3A_80, %swap3A_81, %swap3A_82], %swap3A_85 {strides = array<i32>} : memref<1x2048x256xf32, #tpu.memory_space<vmem>>, vector<1x2048x64xf32>,
    return
  }
  func.func @transform_0(%arg0: i32) -> (i32, i32, i32) {
    %c0_i32 = arith.constant 0 : i32
    %c0_i32_0 = arith.constant 0 : i32
    %c0_i32_1 = arith.constant 0 : i32
    return %arg0, %c0_i32, %c0_i32_0 : i32, i32, i32
  }
  func.func @transform_1(%arg0: i32) -> (i32, i32, i32) {
    %c0_i32 = arith.constant 0 : i32
    %c0_i32_0 = arith.constant 0 : i32
    %c0_i32_1 = arith.constant 0 : i32
    %c0_i32_2 = arith.constant 0 : i32
    return %c0_i32, %c0_i32_0, %c0_i32_1 : i32, i32, i32
  }
  func.func @transform_2(%arg0: i32) -> (i32, i32, i32) {
    %c0_i32 = arith.constant 0 : i32
    %c0_i32_0 = arith.constant 0 : i32
    %c0_i32_1 = arith.constant 0 : i32
    return %arg0, %c0_i32, %c0_i32_0 : i32, i32, i32
  }
}

</mosaic_0001>

<sc_bundles>
// kernel: kernel.5.cloned.1.call-start
scs
__scs_entry_jumppad:
0x0: {  	(pc) =	sbr.rel $0x88, $3  }
0x1: {  	(tag) =	ssettag $0x0;
	lr =	simm.s32 $0x1  }
0x2: {  	[smem:$0x3F9E] =	sst lr;
	_ =	strace $0xD0000000  }
0x3: {  	_ = 	snop  }
0x4: {  	_ = 	snop  }
0x5: {  	_ = 	snop  }
0x6: {  	_ = 	snop  }
0x7: {  	_ = 	snop  }
__scs_overlays_trampoline_lowered:
0x8: {  	[smem:$0x3FAD] =	sst s0  }
0x9: {  	[smem:$0x3FAE] =	sst s1  }
0xa: {  	[smem:$0x3FAF] =	sst s2  }
0xb: {  	[smem:$0x3FB0] =	sst s3  }
0xc: {  	[smem:$0x3FB1] =	sst s4  }
0xd: {  	[smem:$0x3FB2] =	sst s5  }
0xe: {  	[smem:$0x3FB3] =	sst s6  }
0xf: {  	[smem:$0x3FB4] =	sst s7  }
0x10: {  	[smem:$0x3FB5] =	sst s8  }
0x11: {  	[smem:$0x3FB6] =	sst s9;
	s0 =	simm.s32 @!p0 $0x0  }
0x12: {  	s1 =	sld [smem:$0x3F9C];
	s0 =	simm.s32 @p0 $0x1  }
0x13: {  	[smem:$0x3FB7] =	sst s0;
	s0 =	simm.s32 @!p1 $0x0  }
0x14: {  	s2 =	sld [smem:$0x3F9B];
	s0 =	simm.s32 @p1 $0x1  }
0x15: {  	[smem:$0x3FB8] =	sst s0;
	s0 =	simm.s32 @!p2 $0x0  }
0x16: {  	s3 =	sld [smem:$0x3FDB];
	s0 =	simm.s32 @p2 $0x1  }
0x17: {  	s4 =	simm.s32 $0x1BF5;
	[smem:$0x3FBA] =	sst s0  }
0x18: {  	s0 =	sld [smem:$0x3F9D];
	_ =	swait.ge [sflag:s4], $0x0  }
0x19: {  	s7 =	sld [smem:$0x3F9E]  }
0x1a: {  	s8 =	sadd.s32 $0xFFFFE003, lr  }
0x1b: {  	s9 =	sadd.s32 $0xFFFFFEF7, lr;
	s5 =	simm.s32 $0xFFFFFFFF;
	p2 =	slt.u32 s8, $0xFFFFF086  }
0x1c: {  	p1 =	slt.u32 s9, $0xF7A;
	s5 =	simm.s32 @!p2 $0x0  }
0x1d: {  	s5 =	simm.s32 @p1 $0x1;
	p0 =	seq.s32 s7, s2  }
0x1e: {  	s7 =	smul.u32 @!p0 $0xF7A, s2;
	p2 =	seq.s32 @!p0 s5, $0x0  }
0x1f: {  	s9 =	smul.u32 $0xF7A, s1;
	s8 =	simm.s32 @!p0 $0x1BF5;
	p2 =	por !p2, p0  }
0x20: {  	[sflag:s8] =	ssyncset.s32 @!p0 $0xFFFFF086;
	s6 =	sadd.s32 @!p0 s3, s7;
	s7 =	simm.s32 @!p0 $0x108  }
0x21: {  	s3 =	sadd.s32 s3, s9;
	s6 =	sadd.s32 @!p0 $0x88, s6;
	s7 =	simm.s32 @p2 $0x1082  }
0x22: {  	[simem:s7], [sflag:s8] =	dma.local @!p0 [hbm:s6], $0xF7A  }
0x23: {  	s9 =	sor.u32 $0xD0000000, s2;
	s6 =	simm.s32 $0x108;
	_ =	swait.ge @!p0 [sflag:s8], $0x0  }
0x24: {  	s3 =	sadd.s32 $0x88, s3;
	s6 =	simm.s32 @!p1 $0x1082;
	[sflag:s4] =	ssyncset.s32 $0xFFFFF086  }
0x25: {  	[simem:s6], [sflag:s4] =	dma.local [hbm:s3], $0xF7A  }
0x26: {  	[smem:$0x3F9E] =	sst s1;
	(tag) =	ssettag s2;
	_ =	strace s9  }
0x27: {  	s1 =	sld [smem:$0x3FAE]  }
0x28: {  	s2 =	sld [smem:$0x3FAF]  }
0x29: {  	s4 =	sld [smem:$0x3FB1]  }
0x2a: {  	p0 =	seq.s32 s5, $0x0;
	s5 =	sld [smem:$0x3FB2]  }
0x2b: {  	s6 =	sld [smem:$0x3FB3]  }
0x2c: {  	s7 =	sld [smem:$0x3FB4]  }
0x2d: {  	s3 =	simm.s32 $0x108;
	s8 =	sld [smem:$0x3FB5]  }
0x2e: {  	s3 =	simm.s32 @!p0 $0x1082;
	s9 =	sld [smem:$0x3FB6]  }
0x2f: {  	lr =	sadd.s32 s0, s3;
	s0 =	sld [smem:$0x3FAD]  }
0x30: {  	s3 =	sld [smem:$0x3FB0]  }
0x31: {  	[smem:$0x3FB9] =	sst s10  }
0x32: {  	s10 =	sld [smem:$0x3FB7];
	_ =	sdelay $0x3  }
0x33: {  	p0 =	seq.s32 s10, $0x1;
	s10 =	sld [smem:$0x3FB9];
	_ =	sdelay $0x3  }
0x34: {  	[smem:$0x3FB9] =	sst s10  }
0x35: {  	s10 =	sld [smem:$0x3FB8];
	_ =	sdelay $0x3  }
0x36: {  	p1 =	seq.s32 s10, $0x1;
	s10 =	sld [smem:$0x3FB9];
	_ =	sdelay $0x3  }
0x37: {  	[smem:$0x3FB9] =	sst s10  }
0x38: {  	s10 =	sld [smem:$0x3FBA]  }
0x39: {  	_ = 	snop;
	(pc) =	sbr.ind lr, $3  }
0x3a: {  	_ = 	snop  }
0x3b: {  	_ = 	snop  }
0x3c: {  	p2 =	seq.s32 s10, $0x1;
	s10 =	sld [smem:$0x3FB9]  }
0x3d: {  	_ =	shalt  }
0x3e: {  	_ =	shalt  }
0x3f: {  	_ =	shalt  }
0x40: {  	_ =	shalt  }
0x41: {  	_ =	shalt  }
0x42: {  	_ =	shalt  }
0x43: {  	_ =	shalt  }
0x44: {  	_ =	shalt  }
0x45: {  	_ =	shalt  }
0x46: {  	_ =	shalt  }
0x47: {  	_ =	shalt  }
0x48: {  	_ =	shalt  }
0x49: {  	_ =	shalt  }
0x4a: {  	_ =	shalt  }
0x4b: {  	_ =	shalt  }
0x4c: {  	_ =	shalt  }
0x4d: {  	_ =	shalt  }
0x4e: {  	_ =	shalt  }
0x4f: {  	_ =	shalt  }
0x50: {  	_ =	shalt  }
0x51: {  	_ =	shalt  }
0x52: {  	_ =	shalt  }
0x53: {  	_ =	shalt  }
0x54: {  	_ =	shalt  }
0x55: {  	_ =	shalt  }
0x56: {  	_ =	shalt  }
0x57: {  	_ =	shalt  }
0x58: {  	_ =	shalt  }
0x59: {  	_ =	shalt  }
0x5a: {  	_ =	shalt  }
0x5b: {  	_ =	shalt  }
0x5c: {  	_ =	shalt  }
0x5d: {  	_ =	shalt  }
0x5e: {  	_ =	shalt  }
0x5f: {  	_ =	shalt  }
0x60: {  	_ =	shalt  }
0x61: {  	_ =	shalt  }
0x62: {  	_ =	shalt  }
0x63: {  	_ =	shalt  }
0x64: {  	_ =	shalt  }
0x65: {  	_ =	shalt  }
0x66: {  	_ =	shalt  }
0x67: {  	_ =	shalt  }
0x68: {  	_ =	shalt  }
0x69: {  	_ =	shalt  }
0x6a: {  	_ =	shalt  }
0x6b: {  	_ =	shalt  }
0x6c: {  	_ =	shalt  }
0x6d: {  	_ =	shalt  }
0x6e: {  	_ =	shalt  }
0x6f: {  	_ =	shalt  }
0x70: {  	_ =	shalt  }
0x71: {  	_ =	shalt  }
0x72: {  	_ =	shalt  }
0x73: {  	_ =	shalt  }
0x74: {  	_ =	shalt  }
0x75: {  	_ =	shalt  }
0x76: {  	_ =	shalt  }
0x77: {  	_ =	shalt  }
0x78: {  	_ =	shalt  }
0x79: {  	_ =	shalt  }
0x7a: {  	_ =	shalt  }
0x7b: {  	_ =	shalt  }
0x7c: {  	_ =	shalt  }
0x7d: {  	_ =	shalt  }
0x7e: {  	_ =	shalt  }
0x7f: {  	_ =	shalt  }
0x80: {  	_ =	shalt  }
0x81: {  	_ =	shalt  }
0x82: {  	_ =	shalt  }
0x83: {  	_ =	shalt  }
0x84: {  	_ =	shalt  }
0x85: {  	_ =	shalt  }
0x86: {  	_ =	shalt  }
0x87: {  	_ =	shalt  }
.Lfunc_end0:
.L_simem_size_0:
called_computation_lowered:
.L_overlay_start_0:
0x88: {  	s2 =	sld [smem:$0x3FD9]  }
0x89: {  	s3 =	sld [smem:$0x3FFE];
	_ =	sdelay $0x1  }
0x8a: {  	s1 =	srdreg.scid  }
0x8b: {  	s0 =	sand.u32 $0x1, s1  }
0x8c: {  	s17 =	sshll.u32 s0, $0xA;
	s2 =	sadd.s32 s3, s2  }
0x8d: {  	s2 =	sadd.s32 s2, s17  }
0x8e: {  	[smem:$0x3FC5] =	sst s2  }
0x8f: {  	_ = 	snop  }
0x90: {  	s2 =	sld [smem:$0x3FD0];
	(tm) =	ssettm $0x1  }
0x91: {  	s18 =	sld [smem:$0x3FFB];
	_ =	sdelay $0x3  }
0x92: {  	_ =	strace s18  }
0x93: {  	s3 =	sld [smem:$0x3FFC];
	_ =	sdelay $0x3  }
0x94: {  	_ =	strace s3  }
0x95: {  	s3 =	sld [smem:$0x3FFD];
	_ =	sdelay $0x3  }
0x96: {  	_ =	strace s3  }
0x97: {  	_ =	strace $0x8FFFFFFF  }
0x98: {  	s19 =	sld [smem:$0x3FDB];
	_ =	sdelay $0x1  }
0x99: {  	s4 =	simm.s32 $_scs_section_size  }
0x9a: {  	s5 =	simm.s32 $_size__tile_overlayer_lowered;
	s6 =	simm.s32 $_tile_overlayer_lowered  }
0x9b: {  	s22 =	simm.s32 $0x1BFF;
	s21 =	sshll.u32 s6, $0x1;
	s3 =	sadd.s32 s4, s19  }
0x9c: {  	s7 =	simm.s32 $0x0;
	s20 =	sshll.u32 s5, $0x1;
	s5 =	sadd.s32 s21, s3  }
0x9d: {  	[timem:s7], [sflag:s22] =	dma.local [hbm:s5], s20  }
0x9e: {  	_ =	swait.ge [sflag:s22], s20  }
0x9f: {  	s4 =	ssub.s32 $0x0, s20;
	[sflag:s22] =	ssyncset.done $0x0  }
0xa0: {  	[sflag:s22] =	ssyncadd.s32 s4;
	_ =	sdelay $0x1  }
0xa1: {  	s23 =	simm.s32 $0x1B8B  }
0xa2: {  	_ =	swait.ge [sflag:s23], $0x1  }
0xa3: {  	[sflag:s23] =	ssyncset.done $0x0  }
0xa4: {  	s25 =	simm.s32 $0x1B8E;
	s24 =	sld [smem:$0x3FFE];
	[sflag:s23] =	ssyncadd.s32 $0xFFFFFFFF  }
0xa5: {  	s26 =	simm.s32 $execute0_lowered;
	[smem:$0x3FD2] =	sst s25  }
0xa6: {  	s5 =	sshll.u32 s26, $0x1;
	_ =	strace $0x80000046;
	[dreg:$0x1] =	wrdreg $0xFFFFFFFF  }
0xa7: {  	s28 =	simm.s32 $_size_execute0_lowered;
	s3 =	sadd.s32 s3, s5;
	[dreg:$0x0] =	wrdreg $0x0  }
0xa8: {  	s5 =	sshll.u32 s28, $0x1;
	[dreg:$0x2] =	wrdreg s3  }
0xa9: {  	[dreg:$0x3] =	wrdreg s5  }
0xaa: {  	[dreg:$0x4] =	wrdreg $0xC0  }
0xab: {  	_ =	task [dreg:s7], $0x5FFFF  }
0xac: {  	[dreg:$0x1] =	wrdreg $0xFFFFFFFF  }
0xad: {  	[dreg:$0x0] =	wrdreg $0x60  }
0xae: {  	[dreg:$0x2] =	wrdreg s2  }
0xaf: {  	[dreg:$0x3] =	wrdreg s24  }
0xb0: {  	[dreg:$0x4] =	wrdreg $0x9  }
0xb1: {  	_ =	task.clear_ibuf [dreg:s7], $0x5FFFF;
	_ =	strace $0x90000046  }
0xb2: {  	s29 =	simm.s32 $0x9;
	_ =	strace $0x80000048  }
0xb3: {  	_ =	swait.ge [sflag:s29], $0x1  }
0xb4: {  	[sflag:s29] =	ssyncadd.s32 $0xFFFFFFFF  }
0xb5: {  	_ =	strace $0x90000048  }
0xb6: {  	_ =	sfence  }
0xb7: {  	s30 =	sld [smem:$0x0];
	_ =	sdelay $0x2  }
0xb8: {  	s31 =	sshll.u32 s1, $0xD;
	s1 =	sshrl.u32 s1, $0x2  }
0xb9: {  	s3 =	sand.u32 $0x4000, s31;
	s1 =	sadd.s32 s1, s30  }
0xba: {  	s0 =	sor.u32 s3, s0;
	s1 =	sshll.u32 s1, $0x11  }
0xbb: {  	s0 =	sor.u32 s1, s0  }
0xbc: {  	s0 =	sadd.s32 $0x8F2B, s0  }
0xbd: {  	[sflag:s0] =	ssyncadd.remote.s32 $0x1  }
0xbe: {  	_ =	sfence.sel $0xFFFF  }
0xbf: {  	[dreg:$0x0] =	wrdreg $0xFFFFFFFF;
	(pc) =	sbr.abs _section_cstart, $3  }
0xc0: {  	[dreg:$0x1] =	wrdreg $0xFFFFFFFF  }
0xc1: {  	_ =	task.clear_ibuf [dreg:s7], $0x2FFFF;
	_ =	strace $0x9FFFFFFF  }
0xc2: {  	(tm) =	ssettm $0x7FFFFFFF  }
0xc3: {  	_ =	shalt  }
tec
execute0_lowered:
.L_overlay_start_1:
0x0: {  	(tag) =	ssettag $0x1  }
0x1: {  	s1 =	stileid.u32  }
0x2: {  	p0 =	sgt.u32 s1, $0x7  }
.Ltmp0:
0x3: {  	_ = 	snop;
	(pc) =	sbr.rel @p0 .LBB2_10-.Ltmp0, $4  }
0x4: {  	s5 =	rddreg [dreg:$0x0]  }
0x5: {  	s3 =	rddreg [dreg:$0x1];
	s2 =	simm.s32 $0x0  }
0x6: {  	[smem:$0x7FF] =	sst s2  }
0x7: {  	s0 =	rddreg [dreg:$0x2];
	_ =	strace $0x80000047  }
0x8: {  	s4 =	srdreg.scid;
	s6 =	sshll.u32 s1, $0x5  }
0x9: {  	s7 =	sshll.u32 s1, $0x9;
	s9 =	simm.s32 $0x1;
	s4 =	sand.u32 $0x1, s4  }
0xa: {  	s10 =	simm.s32 $0x1100;
	s6 =	sand.u32 $0x60, s6;
	s8 =	sshll.u32 s4, $0x4  }
0xb: {  	s7 =	sand.u32 $0x800, s7;
	s4 =	ssub.s32 $0x2, s4;
	s6 =	sor.u32 s8, s6  }
0xc: {  	s11 =	simm.s32 $0x880;
	s31 =	sshrl.u32 s4, $0x1;
	s6 =	sor.u32 s7, s6  }
0xd: {  	s12 =	simm.s32 $0x0;
	s8 =	ssub.s32 s4, s31;
	s7 =	sadd.s32 s6, s3  }
0xe: {  	s5 =	sadd.s32 s5, s6;
	s6 =	smax.u32 s8, $0x1;
	s8 =	simm.s32 $0x400  }
0xf: {  	v0 =	vlaneseq.u32;
	v1 =	vimm.s32 $0x0;
	s3 =	sadd.s32 $0xE00, s7;
	s4 =	sadd.s32 $0x1E00, s7;
	s7 =	simm.s32 $0x80  }
.LBB2_2:
0x10: {  	s16 =	simm.s32 $0x0  }
0x11: {  	[tilespmem:s16], [sflag:$0x1] =	stream.strided.gather [hbm4b:s5+s7], $0x800, s8, s7, $0x38;
	[tilespmem:$0x1900] =	vst v63  }
0x12: {  	_ =	swait.ge [sflag:s9], $0x800  }
0x13: {  	[sflag:s9] =	ssyncset.done $0x0  }
0x14: {  	[sflag:s9] =	ssyncadd.s32 $0xFFFFF800  }
0x15: {  	[tilespmem:s10], [sflag:$0x1] =	stream.strided.gather [hbm4b:s3+s7], $0x800, s8, s7, $0x38;
	[tilespmem:$0x1900] =	vst v63  }
0x16: {  	_ =	swait.ge [sflag:s9], $0x800  }
0x17: {  	[sflag:s9] =	ssyncset.done $0x0  }
0x18: {  	[sflag:s9] =	ssyncadd.s32 $0xFFFFF800  }
0x19: {  	v2 =	vld [tilespmem:$0x0];
	_ =	sdelay $0x4  }
0x1a: {  	(v2sf) =	vpush v2, $0x0;
	_ =	sdelay $0xa  }
.Ltmp1:
0x1b: {  	_ = 	snop;
	(pc) =	sbr.rel .LBB2_3-.Ltmp1, $3  }
0x1c: {  	_ =	sdelay $0x1  }
0x1d: {  	v8 =	vimm.s32 $0x0;
	v3 =	vimm.s32 $0x0  }
0x1e: {  	v10 =	vimm.s32 $0xFFFFFFFF;
	v9 =	vimm.s32 $0x0;
	[tilespmem:$0x800] =	vst v1;
	v2 =	vimm.s32 $0xFFFFFFFF;
	s13 =	spop (v2sf)  }
.LBB2_6:
0x1f: {  	vm0 =	veq.s32 v10, v0  }
0x20: {  	v8 =	vsel vm0, s13, v8  }
0x21: {  	v11 =	vshrl.u32 v11, $0x4;
	v14 =	vsub.s32 v5, v7;
	v10 =	vperm.xlane v8, v4  }
0x22: {  	v60 =	vshra.s32 v6, $0xC;
	vm1 =	vgt.s32 v6, $0xFFFFFFFF;
	v9 =	vsub.s32 v11, v9  }
0x23: {  	v15 =	vadd.s32 $0x1, v14;
	v9 =	vadd.s32 $0x1, v9;
	v12 =	vshrl.u32 v10, $0x4  }
0x24: {  	v16 =	vadd.s32 $0x1, v5;
	vm10 =	vlt.s32 v9, v15;
	v13 =	vadd.s32 $0x1, v12  }
0x25: {  	vm15 =	veq.s32 v4, v0;
	vm2 =	vlt.s32 v16, $0x800;
	v9 =	vsel vm10, v9, v15  }
0x26: {  	v63 =	vadd.s32 $0x1000, v11;
	v10 =	vand.u32 $0xF, v10;
	vm0 =	vgt.s32 v9, v14  }
0x27: {  	v17 =	vperm.xlane v2, v10;
	v14 =	vsel vm0, v14, v9;
	v9 =	vadd.s32 v60, v9  }
0x28: {  	v61 =	vperm.xlane v3, v10;
	vm0 =	vmand vm0, vm1;
	v9 =	vshll.u32 v9, $0xC  }
0x29: {  	v18 =	vperm.xlane v8, v10;
	vm0 =	vmand vm0, vm2;
	v9 =	vadd.s32 v9, v16;
	v13 =	vld.idx.msk [tilespmem:v13+s2+$0x0], $0x1  }
0x2a: {  	vm11 =	veq.s32 v10, v0;
	v62 =	vadd.s32 v60, v14;
	v9 =	vnsel vm0, $0xFFFFFFFF, v9  }
0x2b: {  	vm12 =	vgt.s32 v14, $0x0;
	v7 =	vadd.s32 v7, v14;
	vm0 =	vgt.s32 v9, v17  }
0x2c: {  	vm3 =	vgt.s32 v17, v9;
	v10 =	vsel vm0, v12, v61;
	v12 =	vshll.u32 v62, $0xC  }
0x2d: {  	p0 =	slt.u32 s13, $0x7FF0;
	vm1 =	vmand vm1, vm12;
	v9 =	vsel vm3, v17, v9;
	v7 =	vadd.s32 v12, v7  }
.Ltmp2:
0x2e: {  	v2 =	vsel vm11, v9, v2;
	v7 =	vsel vm1, v7, v63;
	v13 =	vperm.xlane v13, v1;
	(pc) =	sbr.rel @!p0 .LBB2_7-.Ltmp2, $4  }
0x2f: {  	v3 =	vsel vm11, v10, v3;
	vm13 =	vle.s32 v7, v6;
	vm14 =	vgt.s32 v6, v7  }
0x30: {  	v6 =	vsel vm14, v6, v7;
	v9 =	vsel vm0, v13, v18;
	vm0 =	vmor vm1, vm13  }
0x31: {  	v2 =	vsel vm15, v6, v2;
	v8 =	vsel vm11, v9, v8;
	v5 =	vsel vm0, v5, v11  }
0x32: {  	s16 =	sadd.s32 $0x1, s14;
	s14 =	simm.s32 $0x8A0;
	s13 =	smov.u32 s15;
	v10 =	vsel vm0, $0xFFFFFFFF, v4;
	v9 =	vadd.s32 $0x1, v11;
	v3 =	vsel vm15, v5, v3  }
.LBB2_3:
0x33: {  	s14 =	sshrl.u32 s13, $0x4  }
0x34: {  	v4 =	vld [tilespmem:s14+$0x1];
	_ =	sdelay $0x4  }
0x35: {  	(v2sf) =	vpush v4, $0x0;
	_ =	sdelay $0x3  }
0x36: {  	v11 =	vmov s13  }
0x37: {  	v4 =	vand.u32 $0xF, v11  }
0x38: {  	v6 =	vperm.xlane v2, v4;
	_ =	sdelay $0x1  }
0x39: {  	vm0 =	vgt.s32 v6, $0x0  }
0x3a: {  	s17 =	ssub.s32 s14, s16;
	v7 =	vnsel vm0, $0x0, v6  }
0x3b: {  	p0 =	slt.s32 s17, $0x10;
	v5 =	vperm.xlane v3, v4;
	v7 =	vand.u32 $0xFFF, v7  }
.Ltmp3:
0x3c: {  	v12 =	vadd.s32 v0, v7;
	(pc) =	sbr.rel @p0 .LBB2_6-.Ltmp3, $4  }
0x3d: {  	vm15 =	vlt.s32 v12, v5  }
0x3e: {  	v13 =	vshra.s32 v6, $0x1F;
	v14 =	vsel vm15, v12, v5  }
0x3f: {  	v14 =	vor.u32 v14, v13  }
0x40: {  	[tilespmem:s16+$0x880] =	vst v14;
	s15 =	spop (v2sf)  }
0x41: {  	s17 =	sadd.s32 $0x10, s17  }
0x42: {  	s17 =	sshrl.u32 s17, $0x4  }
0x43: {  	s17 =	sadd.s32 $0xFFFFFFFF, s17  }
0x44: {  	s18 =	simm.s32 $0x10;
	p0 =	sne.s32 s17, $0x1  }
.Ltmp4:
0x45: {  	v14 =	vadd.s32 s18, v12;
	(pc) =	sbr.rel @!p0 .LBB2_6-.Ltmp4, $4  }
0x46: {  	s16 =	sshll.u32 s16, $0x2;
	vm0 =	vlt.s32 v14, v5  }
0x47: {  	s16 =	sshra.s32 s16, $0x2;
	v14 =	vsel vm0, v14, v5  }
0x48: {  	s16 =	sadd.s32 $0x890, s16;
	v14 =	vor.u32 v14, v13  }
0x49: {  	s18 =	simm.s32 $0x20;
	s17 =	sadd.s32 $0xFFFFFFFF, s17;
	[tilespmem:s16+$0x0] =	vst v14  }
.LBB2_5:
0x4a: {  	v14 =	vadd.s32 s18, v12;
	p0 =	sne.s32 s17, $0x1;
	s17 =	sadd.s32 $0xFFFFFFFF, s17  }
.Ltmp5:
0x4b: {  	vm0 =	vlt.s32 v14, v5;
	(pc) =	sbr.rel @p0 .LBB2_5-.Ltmp5, $4  }
0x4c: {  	v14 =	vsel vm0, v14, v5  }
0x4d: {  	s16 =	sadd.s32 $0x10, s16;
	v14 =	vor.u32 v14, v13  }
0x4e: {  	[tilespmem:s16+$0x0] =	vst v14  }
0x4f: {  	s18 =	sadd.s32 $0x10, s18  }
.Ltmp6:
0x50: {  	_ = 	snop;
	(pc) =	sbr.rel .LBB2_6-.Ltmp6, $1  }
0x51: {  	_ =	sdelay $0x3  }
.LBB2_7:
0x52: {  	v2 =	vld [tilespmem:s14+$0x10]  }
0x53: {  	v3 =	vld [tilespmem:s14+$0xFFFFFFF0]  }
0x54: {  	v5 =	vld [tilespmem:s14+$0x0]  }
0x55: {  	v6 =	vld [tilespmem:s14+$0xFFFFFFE0];
	_ =	sdelay $0x1  }
0x56: {  	vm0 =	vgt.s32 v2, $0x0  }
0x57: {  	s13 =	simm.s32 $0x8E0;
	vm1 =	vgt.s32 v3, $0x0;
	v4 =	vnsel vm0, $0x0, v2  }
0x58: {  	v10 =	vld [tilespmem:s13+$0xFFFFFFF0];
	v7 =	vnsel vm1, $0x0, v3;
	vm0 =	vgt.s32 v5, $0x0;
	v8 =	vmin.u32 v4, $0x7FF  }
0x59: {  	vm1 =	vgt.s32 v6, $0x0;
	v4 =	vld [tilespmem:s13+$0x10];
	v9 =	vmin.u32 v7, $0x7FF;
	v7 =	vnsel vm0, $0x0, v5  }
0x5a: {  	v11 =	vnsel vm1, $0x0, v6;
	v12 =	vmin.u32 v7, $0x7FF  }
0x5b: {  	v7 =	vld [tilespmem:s13+$0x0];
	v13 =	vmin.u32 v11, $0x7FF  }
0x5c: {  	vm2 =	vgt.s32 v6, $0xFFFFFFFF;
	vm0 =	vgt.s32 v3, $0xFFFFFFFF;
	v3 =	vld [tilespmem:s13+$0xFFFFFFE0]  }
0x5d: {  	vm3 =	vgt.s32 v5, $0xFFFFFFFF;
	vm2 =	vmmov vm2;
	v5 =	vld.idx.msk [tilespmem:v8+s10+$0x0], $0xffff  }
0x5e: {  	vm5 =	vgt.s32 v10, $0x0;
	vm1 =	vmmov vm0;
	vm4 =	vgt.s32 v4, $0x0;
	v6 =	vld.idx.msk [tilespmem:v9+s10+$0x0], $0xffff  }
0x5f: {  	vm0 =	vmmov vm3;
	vm3 =	vgt.s32 v10, $0xFFFFFFFF;
	v9 =	vnsel vm4, $0x0, v4;
	v8 =	vld.idx.msk [tilespmem:v12+s10+$0x0], $0xffff  }
0x60: {  	s15 =	simm.s32 $0x4;
	s16 =	simm.s32 $0x920;
	v11 =	vnsel vm5, $0x0, v10;
	vm4 =	vgt.s32 v7, $0x0;
	v10 =	vmin.u32 v9, $0x7FF;
	v9 =	vld.idx.msk [tilespmem:v13+s10+$0x0], $0xffff  }
.LBB2_8:
0x61: {  	v12 =	vld [tilespmem:s16+$0x10];
	s15 =	sadd.s32 $0x4, s15;
	vm5 =	vgt.s32 v3, $0x0;
	v11 =	vmin.u32 v11, $0x7FF;
	v13 =	vnsel vm4, $0x0, v7  }
0x62: {  	vm4 =	vgt.s32 v2, $0xFFFFFFFF;
	v2 =	vmovc v4;
	v14 =	vld [tilespmem:s16+$0xFFFFFFF0];
	p0 =	slt.u32 s15, $0x7C;
	v15 =	vnsel vm5, $0x0, v3;
	v13 =	vmin.u32 v13, $0x7FF  }
0x63: {  	vm5 =	vgt.s32 v3, $0xFFFFFFFF;
	v4 =	vnsel vm4, $0x20, v5;
	v16 =	vld [tilespmem:s16+$0x0];
	v15 =	vmin.u32 v15, $0x7FF  }
.Ltmp7:
0x64: {  	vm4 =	vgt.s32 v7, $0xFFFFFFFF;
	v6 =	vnsel vm1, $0x20, v6;
	vm1 =	vmmov vm3;
	v3 =	vld [tilespmem:s16+$0xFFFFFFE0];
	[tilespmem:s14+$0x10] =	vst v4;
	(pc) =	sbr.rel @p0 .LBB2_8-.Ltmp7, $4  }
0x65: {  	v8 =	vnsel vm0, $0x20, v8;
	vm0 =	vmmov vm4;
	v5 =	vld.idx.msk [tilespmem:v10+s10+$0x0], $0xffff;
	[tilespmem:s14+$0xFFFFFFF0] =	vst v6  }
0x66: {  	v17 =	vnsel vm2, $0x20, v9;
	vm2 =	vmmov vm5;
	vm4 =	vgt.s32 v12, $0x0;
	v6 =	vld.idx.msk [tilespmem:v11+s10+$0x0], $0xffff;
	[tilespmem:s14+$0x0] =	vst v8;
	v4 =	vmovc v12  }
0x67: {  	vm5 =	vgt.s32 v14, $0x0;
	vm3 =	vgt.s32 v14, $0xFFFFFFFF;
	v9 =	vnsel vm4, $0x0, v4;
	v8 =	vld.idx.msk [tilespmem:v13+s10+$0x0], $0xffff;
	[tilespmem:s14+$0xFFFFFFE0] =	vst v17;
	s14 =	smov.u32 s13;
	s13 =	smov.u32 s16  }
0x68: {  	s16 =	sadd.s32 $0x40, s16;
	v11 =	vnsel vm5, $0x0, v14;
	vm4 =	vgt.s32 v16, $0x0;
	v10 =	vmin.u32 v9, $0x7FF;
	v9 =	vld.idx.msk [tilespmem:v15+s10+$0x0], $0xffff;
	v7 =	vmovc v16  }
0x69: {  	vm5 =	vgt.s32 v3, $0x0;
	v11 =	vmin.u32 v11, $0x7FF;
	v12 =	vnsel vm4, $0x0, v7  }
0x6a: {  	v13 =	vnsel vm5, $0x0, v3;
	v12 =	vmin.u32 v12, $0x7FF  }
0x6b: {  	v13 =	vmin.u32 v13, $0x7FF;
	_ =	sdelay $0x1  }
0x6c: {  	vm11 =	vgt.s32 v2, $0xFFFFFFFF;
	v2 =	vld.idx.msk [tilespmem:v10+s10+$0x0], $0xffff  }
0x6d: {  	v5 =	vnsel vm11, $0x20, v5;
	v60 =	vld.idx.msk [tilespmem:v11+s10+$0x0], $0xffff  }
0x6e: {  	v6 =	vnsel vm1, $0x20, v6;
	[tilespmem:s14+$0x10] =	vst v5;
	v61 =	vld.idx.msk [tilespmem:v12+s10+$0x0], $0xffff  }
0x6f: {  	[tilespmem:s14+$0xFFFFFFF0] =	vst v6;
	v62 =	vnsel vm0, $0x20, v8;
	v63 =	vld.idx.msk [tilespmem:v13+s10+$0x0], $0xffff  }
0x70: {  	vm12 =	vgt.s32 v4, $0xFFFFFFFF;
	v9 =	vnsel vm2, $0x20, v9;
	[tilespmem:s14+$0x0] =	vst v62  }
0x71: {  	vm13 =	vgt.s32 v7, $0xFFFFFFFF;
	vm14 =	vmmov vm3;
	[tilespmem:s14+$0xFFFFFFE0] =	vst v9;
	v2 =	vnsel vm12, $0x20, v2  }
0x72: {  	vm15 =	vgt.s32 v3, $0xFFFFFFFF;
	vm1 =	vmmov vm13;
	[tilespmem:s13+$0x10] =	vst v2;
	v3 =	vnsel vm14, $0x20, v60  }
0x73: {  	s12 =	sadd.s32 $0x1, s12;
	vm0 =	vmmov vm15;
	[tilespmem:s13+$0xFFFFFFF0] =	vst v3;
	v2 =	vnsel vm1, $0x20, v61  }
0x74: {  	p0 =	sne.s32 s12, s6;
	v3 =	vnsel vm0, $0x20, v63;
	[tilespmem:s13+$0x0] =	vst v2  }
.Ltmp8:
0x75: {  	[tilespmem:s13+$0xFFFFFFE0] =	vst v3;
	(pc) =	sbr.rel @p0 .LBB2_2-.Ltmp8, $4  }
0x76: {  	[hbm4b:s4+s7] =	stream.strided.scatter [tilespmem:s11], [sflag:$0x1], $0x800, s8, s7, $0x38;
	[tilespmem:$0x1900] =	vst v63  }
0x77: {  	_ =	swait.ge [sflag:s9], $0x800  }
0x78: {  	[sflag:s9] =	ssyncset.done $0x0  }
0x79: {  	[sflag:s9] =	ssyncadd.s32 $0xFFFFF800  }
.LBB2_10:
0x7a: {  	_ =	sfence.sel $0x180000  }
0x7b: {  	[bflag:$0x0] =	sbarrier.arrive $0xFFFF  }
0x7c: {  	p0 =	sne.s32 s1, $0x0;
	_ =	strace $0x90000047  }
0x7d: {  	s0 =	sadd.s32 @!p0 $0x100000, s0;
	[bflag:$0x2] =	sbarrier.arrive $0xFFFF  }
0x7e: {  	[sflag:s0] =	ssyncadd.tile.s32 @!p0 $0x1;
	_ =	shalt  }
.Lfunc_end2:
_tile_overlayer_lowered:
.L_overlay_start_2:
0x7f: {  	(tag) =	ssettag $0x2  }
0x80: {  	s0 =	rddreg [dreg:$0x0];
	s2 =	stileid.u32  }
0x81: {  	s1 =	rddreg [dreg:$0x1];
	p0 =	sne.s32 s2, $0x0  }
0x82: {  	s3 =	rddreg [dreg:$0x2];
	[bflag:$0x3] =	sbarrier.arrive $0xFFFF;
	s2 =	simm.s32 @!p0 $0x1C01  }
0x83: {  	[timem:s3], [sflag:s2] =	dma.local @!p0 [hbm:s0], s1  }
0x84: {  	s0 =	simm.s32 @!p0 $0x1  }
0x85: {  	_ =	swait.ge @!p0 [sflag:s0], s1  }
0x86: {  	s1 =	ssub.s32 @!p0 $0x0, s1;
	[sflag:s0] =	ssyncset.done @!p0 $0x0  }
0x87: {  	[sflag:s0] =	ssyncadd.s32 @!p0 s1  }
0x88: {  	[bflag:$0x3] =	sbarrier.arrive $0xFFFF  }
0x89: {  	_ =	shalt  }

</sc_bundles>
